<compile_context>
chip_gen: v7x
topology: tpu7x:2x2x1
jax: 0.10.2.dev20260603
libtpu: 0.0.44.dev20260713+nightly
codegen_flags: <defaults>
</compile_context>

<pallas_src>
import functools

import jax
import jax.numpy as jnp
from jax import lax
from jax.experimental import pallas as pl
from jax.experimental.pallas import tpu as pltpu
from jax.experimental.pallas import tpu_sc as plsc

_N_NODES = 50000
_N_ELEM = 800000
_NC = 2
_NS = 16
_NW = _NC * _NS
_EPW = _N_ELEM // _NW
_CHUNK = 1000
_NCHUNK = _EPW // _CHUNK
_NFULL = _CHUNK // 16
_TAIL = _CHUNK - _NFULL * 16
_NGRP = _NFULL + 1
_SEC = _NGRP * 16


def _sc_body(u_ref, na_ref, nb_ref, c_ref, s_ref, len_ref, pe_ref, pa_ref,
             pi_ref, out_ref,
             na_v, nb_v, gidx_v, rows_v, c_v, s_v, len_v, pe_v, pa_v, pi_v,
             acc_v, sem_n, sem_g, sem_l):
    cid = lax.axis_index("c")
    sid = lax.axis_index("s")
    wid = sid * _NC + cid
    iota = lax.iota(jnp.int32, 16)
    izero = iota * 0

    na_v[pl.ds(_SEC - 16, 16)] = izero
    nb_v[pl.ds(_SEC - 16, 16)] = izero

    def build(g, _):
        off = g * 16
        a3 = na_v[pl.ds(off, 16)] * 3
        gidx_v[pl.ds(off, 16)] = a3
        gidx_v[pl.ds(_SEC + off, 16)] = a3 + 1
        gidx_v[pl.ds(2 * _SEC + off, 16)] = a3 + 2
        b3 = nb_v[pl.ds(off, 16)] * 3
        gidx_v[pl.ds(3 * _SEC + off, 16)] = b3
        gidx_v[pl.ds(4 * _SEC + off, 16)] = b3 + 1
        gidx_v[pl.ds(5 * _SEC + off, 16)] = b3 + 2
        return _

    def group(g, acc, mask):
        off = g * 16
        xA = rows_v[pl.ds(off, 16)]
        yA = rows_v[pl.ds(_SEC + off, 16)]
        tA = rows_v[pl.ds(2 * _SEC + off, 16)]
        xB = rows_v[pl.ds(3 * _SEC + off, 16)]
        yB = rows_v[pl.ds(4 * _SEC + off, 16)]
        tB = rows_v[pl.ds(5 * _SEC + off, 16)]
        c = c_v[pl.ds(off, 16)]
        s = s_v[pl.ds(off, 16)]
        u1 = c * xA + s * yA
        v1 = c * yA - s * xA
        u2 = c * xB + s * yB
        v2 = c * yB - s * xB
        du = u1 - u2
        dv = v1 - v2
        ts = tA + tB
        lv = len_v[pl.ds(off, 16)]
        eav = pe_v[pl.ds(off, 16)] * pa_v[pl.ds(off, 16)]
        eiv = pe_v[pl.ds(off, 16)] * pi_v[pl.ds(off, 16)]
        rL = 1.0 / lv
        ea_L = eav * rL
        ei_L = eiv * rL
        ei_L2 = ei_L * rL
        ei_L3 = ei_L2 * rL
        ue = 0.5 * (ea_L * du * du + 12.0 * ei_L3 * dv * dv
                    + 12.0 * ei_L2 * dv * ts
                    + 4.0 * ei_L * (tA * tA + tB * tB + tA * tB))
        if mask is not None:
            ue = jnp.where(mask, ue, 0.0)
        return acc + ue

    def chunk(k, acc):
        base = wid * _EPW + k * _CHUNK
        dn1 = pltpu.async_copy(na_ref.at[pl.ds(base, _CHUNK)],
                               na_v.at[pl.ds(0, _CHUNK)], sem_n)
        dn2 = pltpu.async_copy(nb_ref.at[pl.ds(base, _CHUNK)],
                               nb_v.at[pl.ds(0, _CHUNK)], sem_n)
        d1 = pltpu.async_copy(c_ref.at[pl.ds(base, _CHUNK)],
                              c_v.at[pl.ds(0, _CHUNK)], sem_l)
        d2 = pltpu.async_copy(s_ref.at[pl.ds(base, _CHUNK)],
                              s_v.at[pl.ds(0, _CHUNK)], sem_l)
        d3 = pltpu.async_copy(len_ref.at[pl.ds(base, _CHUNK)],
                              len_v.at[pl.ds(0, _CHUNK)], sem_l)
        d4 = pltpu.async_copy(pe_ref.at[pl.ds(base, _CHUNK)],
                              pe_v.at[pl.ds(0, _CHUNK)], sem_l)
        d5 = pltpu.async_copy(pa_ref.at[pl.ds(base, _CHUNK)],
                              pa_v.at[pl.ds(0, _CHUNK)], sem_l)
        d6 = pltpu.async_copy(pi_ref.at[pl.ds(base, _CHUNK)],
                              pi_v.at[pl.ds(0, _CHUNK)], sem_l)
        dn1.wait()
        dn2.wait()
        lax.fori_loop(0, _NGRP, build, 0)
        dg = pltpu.async_copy(u_ref.at[gidx_v], rows_v, sem_g)
        dg.wait()
        d1.wait()
        d2.wait()
        d3.wait()
        d4.wait()
        d5.wait()
        d6.wait()
        acc = lax.fori_loop(0, _NFULL, lambda g, a: group(g, a, None), acc)
        acc = group(_NFULL, acc, iota < _TAIL)
        return acc

    acc = lax.fori_loop(0, _NCHUNK, chunk, jnp.zeros((16,), jnp.float32))
    acc_v[...] = acc
    pltpu.sync_copy(acc_v, out_ref.at[wid])


_sc_energy = functools.partial(
    pl.kernel,
    out_type=jax.ShapeDtypeStruct((_NW, 16), jnp.float32),
    mesh=plsc.VectorSubcoreMesh(core_axis_name="c", subcore_axis_name="s"),
    scratch_types=[
        pltpu.VMEM((_SEC,), jnp.int32),
        pltpu.VMEM((_SEC,), jnp.int32),
        pltpu.VMEM((6 * _SEC,), jnp.int32),
        pltpu.VMEM((6 * _SEC,), jnp.float32),
        pltpu.VMEM((_SEC,), jnp.float32),
        pltpu.VMEM((_SEC,), jnp.float32),
        pltpu.VMEM((_SEC,), jnp.float32),
        pltpu.VMEM((_SEC,), jnp.float32),
        pltpu.VMEM((_SEC,), jnp.float32),
        pltpu.VMEM((_SEC,), jnp.float32),
        pltpu.VMEM((16,), jnp.float32),
        pltpu.SemaphoreType.DMA,
        pltpu.SemaphoreType.DMA,
        pltpu.SemaphoreType.DMA,
    ],
)(_sc_body)


_ROWS_BLK = 2000
_GRID_A = _N_NODES // _ROWS_BLK


def _tc_a_body(uc_ref, tc_ref, pred_ref, fext_ref, uph_ref, w_ref):
    i = pl.program_id(0)
    col = lax.broadcasted_iota(jnp.int32, (_ROWS_BLK, 3), 1)
    scale = jnp.where(col == 2, tc_ref[0], uc_ref[0])
    u = pred_ref[...] * scale
    uph_ref[...] = u

    @pl.when(i == 0)
    def _():
        w_ref[0] = 0.0

    w_ref[0] += jnp.sum(fext_ref[...] * u)


def _tc_a(pred_raw, F_ext, u_c, theta_c):
    return pl.pallas_call(
        _tc_a_body,
        grid=(_GRID_A,),
        in_specs=[
            pl.BlockSpec(memory_space=pltpu.SMEM),
            pl.BlockSpec(memory_space=pltpu.SMEM),
            pl.BlockSpec((_ROWS_BLK, 3), lambda i: (i, 0)),
            pl.BlockSpec((_ROWS_BLK, 3), lambda i: (i, 0)),
        ],
        out_specs=[
            pl.BlockSpec((_ROWS_BLK, 3), lambda i: (i, 0)),
            pl.BlockSpec(memory_space=pltpu.SMEM),
        ],
        out_shape=[
            jax.ShapeDtypeStruct((_N_NODES, 3), jnp.float32),
            jax.ShapeDtypeStruct((1,), jnp.float32),
        ],
    )(u_c, theta_c, pred_raw, F_ext)


def _tc_b_body(w_ref, fc_ref, uc_ref, parts_ref, out_ref):
    u_int = jnp.sum(parts_ref[...])
    pi = u_int - w_ref[0]
    e_c = jnp.maximum(fc_ref[0] * uc_ref[0], 1e-30)
    out_ref[0] = pi / e_c


def _tc_b(parts, w, F_c, u_c):
    return pl.pallas_call(
        _tc_b_body,
        in_specs=[
            pl.BlockSpec(memory_space=pltpu.SMEM),
            pl.BlockSpec(memory_space=pltpu.SMEM),
            pl.BlockSpec(memory_space=pltpu.SMEM),
            pl.BlockSpec((_NW, 16), lambda: (0, 0)),
        ],
        out_specs=pl.BlockSpec(memory_space=pltpu.SMEM),
        out_shape=jax.ShapeDtypeStruct((1,), jnp.float32),
    )(w, F_c, u_c, parts)


def kernel(pred_raw, F_ext, elem_lengths, prop_E, prop_A, prop_I22,
           elem_directions, u_c, theta_c, F_c, connectivity):
    u_phys, w_part = _tc_a(pred_raw, F_ext, u_c, theta_c)
    parts = _sc_energy(
        u_phys.reshape(-1),
        connectivity[:, 0],
        connectivity[:, 1],
        elem_directions[:, 0],
        elem_directions[:, 2],
        elem_lengths, prop_E, prop_A, prop_I22,
    )
    pi_norm = _tc_b(parts, w_part, F_c, u_c)
    return (pi_norm, pred_raw, u_phys)

# --- scband reference (transcript-rebuilt; emitter-appended) ---
"""Pipeline reference for scband-frame-energy-loss-12146167513829 (READ-ONLY COPY).

The authoritative reference and input builder live on the scoring server;
editing this copy changes nothing except your own understanding.
"""

import jax, jax.numpy as jnp
import numpy as np

N_NODES = 50000
N_ELEM = 800000


def setup_inputs(seed: int = 0):
    key = jax.random.key(seed)
    ks = jax.random.split(key, 12)
    pred_raw = jax.random.normal(ks[0], (N_NODES, 3), dtype=jnp.float32)
    F_ext = jax.random.normal(ks[1], (N_NODES, 3), dtype=jnp.float32)
    elem_lengths = jax.random.uniform(ks[2], (N_ELEM,), dtype=jnp.float32, minval=0.1, maxval=1.0)
    prop_E = jax.random.uniform(ks[3], (N_ELEM,), dtype=jnp.float32, minval=0.1, maxval=1.0)
    prop_A = jax.random.uniform(ks[4], (N_ELEM,), dtype=jnp.float32, minval=0.1, maxval=1.0)
    prop_I22 = jax.random.uniform(ks[5], (N_ELEM,), dtype=jnp.float32, minval=0.1, maxval=1.0)
    elem_directions = jax.random.normal(ks[6], (N_ELEM, 3), dtype=jnp.float32)
    u_c = jax.random.uniform(ks[7], (1,), dtype=jnp.float32, minval=0.1, maxval=1.0)
    theta_c = jax.random.uniform(ks[8], (1,), dtype=jnp.float32, minval=0.1, maxval=1.0)
    F_c = jax.random.uniform(ks[9], (1,), dtype=jnp.float32, minval=0.1, maxval=1.0)
    connectivity = jax.random.randint(ks[10], (N_ELEM, 2), 0, N_NODES, dtype=jnp.int32)
    return {
        'pred_raw': pred_raw, 'F_ext': F_ext, 'elem_lengths': elem_lengths,
        'prop_E': prop_E, 'prop_A': prop_A, 'prop_I22': prop_I22,
        'elem_directions': elem_directions, 'u_c': u_c, 'theta_c': theta_c,
        'F_c': F_c, 'connectivity': connectivity,
    }


def _strain_energy(u_phys, connectivity, L, prop_E, prop_A, prop_I22, elem_directions):
    nA = connectivity[:, 0]
    nB = connectivity[:, 1]
    n_elem = connectivity.shape[0]
    EA = prop_E * prop_A
    EI = prop_E * prop_I22
    c = elem_directions[:, 0]
    s = elem_directions[:, 2]
    T = jnp.zeros((n_elem, 6, 6), dtype=u_phys.dtype)
    T = T.at[:, 0, 0].set(c).at[:, 0, 1].set(s)
    T = T.at[:, 1, 0].set(-s).at[:, 1, 1].set(c)
    T = T.at[:, 2, 2].set(1.0)
    T = T.at[:, 3, 3].set(c).at[:, 3, 4].set(s)
    T = T.at[:, 4, 3].set(-s).at[:, 4, 4].set(c)
    T = T.at[:, 5, 5].set(1.0)
    uA = u_phys[nA]  # gather [E,3]
    uB = u_phys[nB]  # gather [E,3]
    d_global = jnp.concatenate([uA, uB], axis=1)  # [E,6]
    d_local = jnp.einsum('eij,ej->ei', T, d_global)
    ea_L = EA / L
    ei_L = EI / L
    ei_L2 = EI / L ** 2
    ei_L3 = EI / L ** 3
    K = jnp.zeros((n_elem, 6, 6), dtype=u_phys.dtype)
    K = K.at[:, 0, 0].set(ea_L).at[:, 0, 3].set(-ea_L)
    K = K.at[:, 3, 0].set(-ea_L).at[:, 3, 3].set(ea_L)
    K = K.at[:, 1, 1].set(12 * ei_L3).at[:, 1, 2].set(6 * ei_L2)
    K = K.at[:, 1, 4].set(-12 * ei_L3).at[:, 1, 5].set(6 * ei_L2)
    K = K.at[:, 2, 1].set(6 * ei_L2).at[:, 2, 2].set(4 * ei_L)
    K = K.at[:, 2, 4].set(-6 * ei_L2).at[:, 2, 5].set(2 * ei_L)
    K = K.at[:, 4, 1].set(-12 * ei_L3).at[:, 4, 2].set(-6 * ei_L2)
    K = K.at[:, 4, 4].set(12 * ei_L3).at[:, 4, 5].set(-6 * ei_L2)
    K = K.at[:, 5, 1].set(6 * ei_L2).at[:, 5, 2].set(2 * ei_L)
    K = K.at[:, 5, 4].set(-6 * ei_L2).at[:, 5, 5].set(4 * ei_L)
    Kd = jnp.einsum('eij,ej->ei', K, d_local)
    U_per_elem = 0.5 * jnp.sum(d_local * Kd, axis=1)
    return jnp.sum(U_per_elem)


def reference(pred_raw, F_ext, elem_lengths, prop_E, prop_A, prop_I22, elem_directions, u_c, theta_c, F_c, connectivity):
    u_phys = jnp.stack([
        pred_raw[:, 0] * u_c,
        pred_raw[:, 1] * u_c,
        pred_raw[:, 2] * theta_c,
    ], axis=1)
    U_internal = _strain_energy(u_phys, connectivity, elem_lengths, prop_E, prop_A, prop_I22, elem_directions)
    W_external = jnp.sum(
        F_ext[:, 0] * u_phys[:, 0] + F_ext[:, 1] * u_phys[:, 1] + F_ext[:, 2] * u_phys[:, 2]
    )
    Pi = U_internal - W_external
    E_c = jnp.clip(F_c * u_c, 1e-30, None)
    Pi_norm = Pi / E_c  # shape (1,)
    return (Pi_norm, pred_raw, u_phys)

if __name__ == "__main__":
    import jax
    _d = setup_inputs()
    print(jax.jit(kernel)(*tuple(_d.values())))

</pallas_src>

<mosaic_0001>
#map = affine_map<(d0, d1) -> (0)>
#map1 = affine_map<(d0, d1) -> (0, 0)>
module attributes {stable_mosaic.version = 14 : i64} {
  func.func @_sc_body(%arg0: i32, %arg1: i32, %arg2: memref<150000xf32, #tpu.memory_space<hbm>>, %arg3: memref<800000xi32, #tpu.memory_space<hbm>>, %arg4: memref<800000xi32, #tpu.memory_space<hbm>>, %arg5: memref<800000xf32, #tpu.memory_space<hbm>>, %arg6: memref<800000xf32, #tpu.memory_space<hbm>>, %arg7: memref<800000xf32, #tpu.memory_space<hbm>>, %arg8: memref<800000xf32, #tpu.memory_space<hbm>>, %arg9: memref<800000xf32, #tpu.memory_space<hbm>>, %arg10: memref<800000xf32, #tpu.memory_space<hbm>>, %arg11: memref<32x16xf32, #tpu.memory_space<hbm>>, %arg12: memref<1008xi32, #tpu.memory_space<vmem>>, %arg13: memref<1008xi32, #tpu.memory_space<vmem>>, %arg14: memref<6048xi32, #tpu.memory_space<vmem>>, %arg15: memref<6048xf32, #tpu.memory_space<vmem>>, %arg16: memref<1008xf32, #tpu.memory_space<vmem>>, %arg17: memref<1008xf32, #tpu.memory_space<vmem>>, %arg18: memref<1008xf32, #tpu.memory_space<vmem>>, %arg19: memref<1008xf32, #tpu.memory_space<vmem>>, %arg20: memref<1008xf32, #tpu.memory_space<vmem>>, %arg21: memref<1008xf32, #tpu.memory_space<vmem>>, %arg22: memref<16xf32, #tpu.memory_space<vmem>>, %arg23: memref<!tpu.dma_semaphore, #tpu.memory_space<semaphore_mem>>, %arg24: memref<!tpu.dma_semaphore, #tpu.memory_space<semaphore_mem>>, %arg25: memref<!tpu.dma_semaphore, #tpu.memory_space<semaphore_mem>>) attributes {dimension_semantics = [#tpu.dimension_semantics<core_parallel>, #tpu.dimension_semantics<subcore_parallel>], iteration_bounds = array<i64: 2, 16>, scalar_prefetch = 0 : i64, scratch_operands = 14 : i64, tpu.core_type = #tpu.core_type<sc_vector_subcore>, window_params = [{transform_indices = #map}, {transform_indices = #map}, {transform_indices = #map}, {transform_indices = #map}, {transform_indices = #map}, {transform_indices = #map}, {transform_indices = #map}, {transform_indices = #map}, {transform_indices = #map}, {transform_indices = #map1}]} {
    %mul3A = arith.constant 2 : i32
    %mul3A_0 = arith.muli %arg1, %mul3A : i32
    %add3A = arith.addi %mul3A_0, %arg0 : i32
    %iota3A = tpu.iota {dimensions = array<i32: 0>} : vector<16xi32>
    %mul3A_1 = arith.constant 0 : i32
    %mul3A_2 = vector.broadcast %mul3A_1 : i32 to vector<16xi32>
    %mul3A_3 = arith.muli %iota3A, %mul3A_2 : vector<16xi32>
    %swap3A = arith.constant 992 : index
    %swap3A_4 = tpu.vector_load %arg12[%swap3A] {strides = array<i32>} : memref<1008xi32, #tpu.memory_space<vmem>>, vector<16xi32>,
    %swap3A_5 = vector.shape_cast %swap3A_4 : vector<16xi32> to vector<16xi32>
    %swap3A_6 = vector.shape_cast %mul3A_3 : vector<16xi32> to vector<16xi32>
    tpu.vector_store %arg12[%swap3A], %swap3A_6 {strides = array<i32>} : memref<1008xi32, #tpu.memory_space<vmem>>, vector<16xi32>,
    %swap3A_7 = arith.constant 992 : index
    %swap3A_8 = tpu.vector_load %arg13[%swap3A_7] {strides = array<i32>} : memref<1008xi32, #tpu.memory_space<vmem>>, vector<16xi32>,
    %swap3A_9 = vector.shape_cast %swap3A_8 : vector<16xi32> to vector<16xi32>
    %swap3A_10 = vector.shape_cast %mul3A_3 : vector<16xi32> to vector<16xi32>
    tpu.vector_store %arg13[%swap3A_7], %swap3A_10 {strides = array<i32>} : memref<1008xi32, #tpu.memory_space<vmem>>, vector<16xi32>,
    %broadcast_in_dim3A = arith.constant 0.000000e+00 : f32
    %broadcast_in_dim3A_11 = vector.broadcast %broadcast_in_dim3A : f32 to vector<16xf32>
    %scan3A = arith.constant 0 : i32
    %scan3A_12 = arith.constant 25 : i32
    %scan3A_13 = arith.addi %scan3A, %scan3A_12 : i32
    %scan3A_14 = arith.constant 1 : i32
    %scan3A_15 = scf.for %scan3A_21 = %scan3A to %scan3A_13 step %scan3A_14 iter_args(%scan3A_22 = %broadcast_in_dim3A_11) -> (vector<16xf32>)  : i32 {
      %mul3A_23 = arith.constant 25000 : i32
      %mul3A_24 = arith.muli %add3A, %mul3A_23 : i32
      %mul3A_25 = arith.constant 1000 : i32
      %mul3A_26 = arith.muli %scan3A_21, %mul3A_25 : i32
      %add3A_27 = arith.addi %mul3A_24, %mul3A_26 : i32
      %dma_start3A = arith.constant 0 : i32
      %dma_start3A_28 = tpu.memref_slice %arg12[%dma_start3A] : memref<1008xi32, #tpu.memory_space<vmem>> -> memref<1000xi32, #tpu.memory_space<vmem>>
      %dma_start3A_29 = tpu.memref_slice %arg3[%add3A_27] : memref<800000xi32, #tpu.memory_space<hbm>> -> memref<1000xi32, #tpu.memory_space<hbm>>
      %dma_start3A_30 = arith.constant 0 : i32
      %dma_start3A_31 = tpu.memref_slice %arg12[%dma_start3A_30] : memref<1008xi32, #tpu.memory_space<vmem>> -> memref<1000xi32, #tpu.memory_space<vmem>>
      %dma_start3A_32 = tpu.memref_slice %arg3[%add3A_27] : memref<800000xi32, #tpu.memory_space<hbm>> -> memref<1000xi32, #tpu.memory_space<hbm>>
      tpu.enqueue_dma source(%dma_start3A_32 : memref<1000xi32, #tpu.memory_space<hbm>>) target(%dma_start3A_31 : memref<1000xi32, #tpu.memory_space<vmem>>) target_semaphore(%arg23 : memref<!tpu.dma_semaphore, #tpu.memory_space<semaphore_mem>>)
      %dma_start3A_33 = arith.constant 0 : i32
      %dma_start3A_34 = tpu.memref_slice %arg13[%dma_start3A_33] : memref<1008xi32, #tpu.memory_space<vmem>> -> memref<1000xi32, #tpu.memory_space<vmem>>
      %dma_start3A_35 = tpu.memref_slice %arg4[%add3A_27] : memref<800000xi32, #tpu.memory_space<hbm>> -> memref<1000xi32, #tpu.memory_space<hbm>>
      %dma_start3A_36 = arith.constant 0 : i32
      %dma_start3A_37 = tpu.memref_slice %arg13[%dma_start3A_36] : memref<1008xi32, #tpu.memory_space<vmem>> -> memref<1000xi32, #tpu.memory_space<vmem>>
      %dma_start3A_38 = tpu.memref_slice %arg4[%add3A_27] : memref<800000xi32, #tpu.memory_space<hbm>> -> memref<1000xi32, #tpu.memory_space<hbm>>
      tpu.enqueue_dma source(%dma_start3A_38 : memref<1000xi32, #tpu.memory_space<hbm>>) target(%dma_start3A_37 : memref<1000xi32, #tpu.memory_space<vmem>>) target_semaphore(%arg23 : memref<!tpu.dma_semaphore, #tpu.memory_space<semaphore_mem>>)
      %dma_start3A_39 = arith.constant 0 : i32
      %dma_start3A_40 = tpu.memref_slice %arg16[%dma_start3A_39] : memref<1008xf32, #tpu.memory_space<vmem>> -> memref<1000xf32, #tpu.memory_space<vmem>>
      %dma_start3A_41 = tpu.memref_slice %arg5[%add3A_27] : memref<800000xf32, #tpu.memory_space<hbm>> -> memref<1000xf32, #tpu.memory_space<hbm>>
      %dma_start3A_42 = arith.constant 0 : i32
      %dma_start3A_43 = tpu.memref_slice %arg16[%dma_start3A_42] : memref<1008xf32, #tpu.memory_space<vmem>> -> memref<1000xf32, #tpu.memory_space<vmem>>
      %dma_start3A_44 = tpu.memref_slice %arg5[%add3A_27] : memref<800000xf32, #tpu.memory_space<hbm>> -> memref<1000xf32, #tpu.memory_space<hbm>>
      tpu.enqueue_dma source(%dma_start3A_44 : memref<1000xf32, #tpu.memory_space<hbm>>) target(%dma_start3A_43 : memref<1000xf32, #tpu.memory_space<vmem>>) target_semaphore(%arg25 : memref<!tpu.dma_semaphore, #tpu.memory_space<semaphore_mem>>)
      %dma_start3A_45 = arith.constant 0 : i32
      %dma_start3A_46 = tpu.memref_slice %arg17[%dma_start3A_45] : memref<1008xf32, #tpu.memory_space<vmem>> -> memref<1000xf32, #tpu.memory_space<vmem>>
      %dma_start3A_47 = tpu.memref_slice %arg6[%add3A_27] : memref<800000xf32, #tpu.memory_space<hbm>> -> memref<1000xf32, #tpu.memory_space<hbm>>
      %dma_start3A_48 = arith.constant 0 : i32
      %dma_start3A_49 = tpu.memref_slice %arg17[%dma_start3A_48] : memref<1008xf32, #tpu.memory_space<vmem>> -> memref<1000xf32, #tpu.memory_space<vmem>>
      %dma_start3A_50 = tpu.memref_slice %arg6[%add3A_27] : memref<800000xf32, #tpu.memory_space<hbm>> -> memref<1000xf32, #tpu.memory_space<hbm>>
      tpu.enqueue_dma source(%dma_start3A_50 : memref<1000xf32, #tpu.memory_space<hbm>>) target(%dma_start3A_49 : memref<1000xf32, #tpu.memory_space<vmem>>) target_semaphore(%arg25 : memref<!tpu.dma_semaphore, #tpu.memory_space<semaphore_mem>>)
      %dma_start3A_51 = arith.constant 0 : i32
      %dma_start3A_52 = tpu.memref_slice %arg18[%dma_start3A_51] : memref<1008xf32, #tpu.memory_space<vmem>> -> memref<1000xf32, #tpu.memory_space<vmem>>
      %dma_start3A_53 = tpu.memref_slice %arg7[%add3A_27] : memref<800000xf32, #tpu.memory_space<hbm>> -> memref<1000xf32, #tpu.memory_space<hbm>>
      %dma_start3A_54 = arith.constant 0 : i32
      %dma_start3A_55 = tpu.memref_slice %arg18[%dma_start3A_54] : memref<1008xf32, #tpu.memory_space<vmem>> -> memref<1000xf32, #tpu.memory_space<vmem>>
      %dma_start3A_56 = tpu.memref_slice %arg7[%add3A_27] : memref<800000xf32, #tpu.memory_space<hbm>> -> memref<1000xf32, #tpu.memory_space<hbm>>
      tpu.enqueue_dma source(%dma_start3A_56 : memref<1000xf32, #tpu.memory_space<hbm>>) target(%dma_start3A_55 : memref<1000xf32, #tpu.memory_space<vmem>>) target_semaphore(%arg25 : memref<!tpu.dma_semaphore, #tpu.memory_space<semaphore_mem>>)
      %dma_start3A_57 = arith.constant 0 : i32
      %dma_start3A_58 = tpu.memref_slice %arg19[%dma_start3A_57] : memref<1008xf32, #tpu.memory_space<vmem>> -> memref<1000xf32, #tpu.memory_space<vmem>>
      %dma_start3A_59 = tpu.memref_slice %arg8[%add3A_27] : memref<800000xf32, #tpu.memory_space<hbm>> -> memref<1000xf32, #tpu.memory_space<hbm>>
      %dma_start3A_60 = arith.constant 0 : i32
      %dma_start3A_61 = tpu.memref_slice %arg19[%dma_start3A_60] : memref<1008xf32, #tpu.memory_space<vmem>> -> memref<1000xf32, #tpu.memory_space<vmem>>
      %dma_start3A_62 = tpu.memref_slice %arg8[%add3A_27] : memref<800000xf32, #tpu.memory_space<hbm>> -> memref<1000xf32, #tpu.memory_space<hbm>>
      tpu.enqueue_dma source(%dma_start3A_62 : memref<1000xf32, #tpu.memory_space<hbm>>) target(%dma_start3A_61 : memref<1000xf32, #tpu.memory_space<vmem>>) target_semaphore(%arg25 : memref<!tpu.dma_semaphore, #tpu.memory_space<semaphore_mem>>)
      %dma_start3A_63 = arith.constant 0 : i32
      %dma_start3A_64 = tpu.memref_slice %arg20[%dma_start3A_63] : memref<1008xf32, #tpu.memory_space<vmem>> -> memref<1000xf32, #tpu.memory_space<vmem>>
      %dma_start3A_65 = tpu.memref_slice %arg9[%add3A_27] : memref<800000xf32, #tpu.memory_space<hbm>> -> memref<1000xf32, #tpu.memory_space<hbm>>
      %dma_start3A_66 = arith.constant 0 : i32
      %dma_start3A_67 = tpu.memref_slice %arg20[%dma_start3A_66] : memref<1008xf32, #tpu.memory_space<vmem>> -> memref<1000xf32, #tpu.memory_space<vmem>>
      %dma_start3A_68 = tpu.memref_slice %arg9[%add3A_27] : memref<800000xf32, #tpu.memory_space<hbm>> -> memref<1000xf32, #tpu.memory_space<hbm>>
      tpu.enqueue_dma source(%dma_start3A_68 : memref<1000xf32, #tpu.memory_space<hbm>>) target(%dma_start3A_67 : memref<1000xf32, #tpu.memory_space<vmem>>) target_semaphore(%arg25 : memref<!tpu.dma_semaphore, #tpu.memory_space<semaphore_mem>>)
      %dma_start3A_69 = arith.constant 0 : i32
      %dma_start3A_70 = tpu.memref_slice %arg21[%dma_start3A_69] : memref<1008xf32, #tpu.memory_space<vmem>> -> memref<1000xf32, #tpu.memory_space<vmem>>
      %dma_start3A_71 = tpu.memref_slice %arg10[%add3A_27] : memref<800000xf32, #tpu.memory_space<hbm>> -> memref<1000xf32, #tpu.memory_space<hbm>>
      %dma_start3A_72 = arith.constant 0 : i32
      %dma_start3A_73 = tpu.memref_slice %arg21[%dma_start3A_72] : memref<1008xf32, #tpu.memory_space<vmem>> -> memref<1000xf32, #tpu.memory_space<vmem>>
      %dma_start3A_74 = tpu.memref_slice %arg10[%add3A_27] : memref<800000xf32, #tpu.memory_space<hbm>> -> memref<1000xf32, #tpu.memory_space<hbm>>
      tpu.enqueue_dma source(%dma_start3A_74 : memref<1000xf32, #tpu.memory_space<hbm>>) target(%dma_start3A_73 : memref<1000xf32, #tpu.memory_space<vmem>>) target_semaphore(%arg25 : memref<!tpu.dma_semaphore, #tpu.memory_space<semaphore_mem>>)
      %dma_wait3A = arith.constant 0 : i32
      %dma_wait3A_75 = tpu.memref_slice %arg12[%dma_wait3A] : memref<1008xi32, #tpu.memory_space<vmem>> -> memref<1000xi32, #tpu.memory_space<vmem>>
      %dma_wait3A_76 = tpu.memref_slice %arg3[%add3A_27] : memref<800000xi32, #tpu.memory_space<hbm>> -> memref<1000xi32, #tpu.memory_space<hbm>>
      %dma_wait3A_77 = arith.constant 0 : i32
      %dma_wait3A_78 = tpu.memref_slice %arg12[%dma_wait3A_77] : memref<1008xi32, #tpu.memory_space<vmem>> -> memref<1000xi32, #tpu.memory_space<vmem>>
      %dma_wait3A_79 = tpu.memref_slice %arg3[%add3A_27] : memref<800000xi32, #tpu.memory_space<hbm>> -> memref<1000xi32, #tpu.memory_space<hbm>>
      tpu.wait_dma2 semaphore(%arg23 : memref<!tpu.dma_semaphore, #tpu.memory_space<semaphore_mem>>) src(%dma_wait3A_79 : memref<1000xi32, #tpu.memory_space<hbm>>) dst(%dma_wait3A_78 : memref<1000xi32, #tpu.memory_space<vmem>>)
      %dma_wait3A_80 = arith.constant 0 : i32
      %dma_wait3A_81 = tpu.memref_slice %arg13[%dma_wait3A_80] : memref<1008xi32, #tpu.memory_space<vmem>> -> memref<1000xi32, #tpu.memory_space<vmem>>
      %dma_wait3A_82 = tpu.memref_slice %arg4[%add3A_27] : memref<800000xi32, #tpu.memory_space<hbm>> -> memref<1000xi32, #tpu.memory_space<hbm>>
      %dma_wait3A_83 = arith.constant 0 : i32
      %dma_wait3A_84 = tpu.memref_slice %arg13[%dma_wait3A_83] : memref<1008xi32, #tpu.memory_space<vmem>> -> memref<1000xi32, #tpu.memory_space<vmem>>
      %dma_wait3A_85 = tpu.memref_slice %arg4[%add3A_27] : memref<800000xi32, #tpu.memory_space<hbm>> -> memref<1000xi32, #tpu.memory_space<hbm>>
      tpu.wait_dma2 semaphore(%arg23 : memref<!tpu.dma_semaphore, #tpu.memory_space<semaphore_mem>>) src(%dma_wait3A_85 : memref<1000xi32, #tpu.memory_space<hbm>>) dst(%dma_wait3A_84 : memref<1000xi32, #tpu.memory_space<vmem>>)
      %scan3A_86 = arith.constant 0 : i32
      %scan3A_87 = arith.constant 0 : i32
      %scan3A_88 = arith.constant 63 : i32
      %scan3A_89 = arith.addi %scan3A_87, %scan3A_88 : i32
      %scan3A_90 = arith.constant 1 : i32
      scf.for %scan3A_229 = %scan3A_87 to %scan3A_89 step %scan3A_90  : i32 {
        %mul3A_230 = arith.constant 16 : i32
        %mul3A_231 = arith.muli %scan3A_229, %mul3A_230 : i32
        %get3A_232 = arith.index_cast %mul3A_231 : i32 to index
        %get3A_233 = tpu.vector_load %arg12[%get3A_232] {strides = array<i32>} : memref<1008xi32, #tpu.memory_space<vmem>>, vector<16xi32>,
        %get3A_234 = vector.shape_cast %get3A_233 : vector<16xi32> to vector<16xi32>
        %mul3A_235 = arith.constant 3 : i32
        %mul3A_236 = vector.broadcast %mul3A_235 : i32 to vector<16xi32>
        %mul3A_237 = arith.muli %get3A_234, %mul3A_236 : vector<16xi32>
        %swap3A_238 = arith.index_cast %mul3A_231 : i32 to index
        %swap3A_239 = tpu.vector_load %arg14[%swap3A_238] {strides = array<i32>} : memref<6048xi32, #tpu.memory_space<vmem>>, vector<16xi32>,
        %swap3A_240 = vector.shape_cast %swap3A_239 : vector<16xi32> to vector<16xi32>
        %swap3A_241 = vector.shape_cast %mul3A_237 : vector<16xi32> to vector<16xi32>
        tpu.vector_store %arg14[%swap3A_238], %swap3A_241 {strides = array<i32>} : memref<6048xi32, #tpu.memory_space<vmem>>, vector<16xi32>,
        %add3A_242 = arith.constant 1 : i32
        %add3A_243 = vector.broadcast %add3A_242 : i32 to vector<16xi32>
        %add3A_244 = arith.addi %mul3A_237, %add3A_243 : vector<16xi32>
        %add3A_245 = arith.constant 1008 : i32
        %add3A_246 = arith.addi %add3A_245, %mul3A_231 : i32
        %swap3A_247 = arith.index_cast %add3A_246 : i32 to index
        %swap3A_248 = tpu.vector_load %arg14[%swap3A_247] {strides = array<i32>} : memref<6048xi32, #tpu.memory_space<vmem>>, vector<16xi32>,
        %swap3A_249 = vector.shape_cast %swap3A_248 : vector<16xi32> to vector<16xi32>
        %swap3A_250 = vector.shape_cast %add3A_244 : vector<16xi32> to vector<16xi32>
        tpu.vector_store %arg14[%swap3A_247], %swap3A_250 {strides = array<i32>} : memref<6048xi32, #tpu.memory_space<vmem>>, vector<16xi32>,
        %add3A_251 = arith.constant 2 : i32
        %add3A_252 = vector.broadcast %add3A_251 : i32 to vector<16xi32>
        %add3A_253 = arith.addi %mul3A_237, %add3A_252 : vector<16xi32>
        %add3A_254 = arith.constant 2016 : i32
        %add3A_255 = arith.addi %add3A_254, %mul3A_231 : i32
        %swap3A_256 = arith.index_cast %add3A_255 : i32 to index
        %swap3A_257 = tpu.vector_load %arg14[%swap3A_256] {strides = array<i32>} : memref<6048xi32, #tpu.memory_space<vmem>>, vector<16xi32>,
        %swap3A_258 = vector.shape_cast %swap3A_257 : vector<16xi32> to vector<16xi32>
        %swap3A_259 = vector.shape_cast %add3A_253 : vector<16xi32> to vector<16xi32>
        tpu.vector_store %arg14[%swap3A_256], %swap3A_259 {strides = array<i32>} : memref<6048xi32, #tpu.memory_space<vmem>>, vector<16xi32>,
        %get3A_260 = arith.index_cast %mul3A_231 : i32 to index
        %get3A_261 = tpu.vector_load %arg13[%get3A_260] {strides = array<i32>} : memref<1008xi32, #tpu.memory_space<vmem>>, vector<16xi32>,
        %get3A_262 = vector.shape_cast %get3A_261 : vector<16xi32> to vector<16xi32>
        %mul3A_263 = arith.constant 3 : i32
        %mul3A_264 = vector.broadcast %mul3A_263 : i32 to vector<16xi32>
        %mul3A_265 = arith.muli %get3A_262, %mul3A_264 : vector<16xi32>
        %add3A_266 = arith.constant 3024 : i32
        %add3A_267 = arith.addi %add3A_266, %mul3A_231 : i32
        %swap3A_268 = arith.index_cast %add3A_267 : i32 to index
        %swap3A_269 = tpu.vector_load %arg14[%swap3A_268] {strides = array<i32>} : memref<6048xi32, #tpu.memory_space<vmem>>, vector<16xi32>,
        %swap3A_270 = vector.shape_cast %swap3A_269 : vector<16xi32> to vector<16xi32>
        %swap3A_271 = vector.shape_cast %mul3A_265 : vector<16xi32> to vector<16xi32>
        tpu.vector_store %arg14[%swap3A_268], %swap3A_271 {strides = array<i32>} : memref<6048xi32, #tpu.memory_space<vmem>>, vector<16xi32>,
        %add3A_272 = arith.constant 1 : i32
        %add3A_273 = vector.broadcast %add3A_272 : i32 to vector<16xi32>
        %add3A_274 = arith.addi %mul3A_265, %add3A_273 : vector<16xi32>
        %add3A_275 = arith.constant 4032 : i32
        %add3A_276 = arith.addi %add3A_275, %mul3A_231 : i32
        %swap3A_277 = arith.index_cast %add3A_276 : i32 to index
        %swap3A_278 = tpu.vector_load %arg14[%swap3A_277] {strides = array<i32>} : memref<6048xi32, #tpu.memory_space<vmem>>, vector<16xi32>,
        %swap3A_279 = vector.shape_cast %swap3A_278 : vector<16xi32> to vector<16xi32>
        %swap3A_280 = vector.shape_cast %add3A_274 : vector<16xi32> to vector<16xi32>
        tpu.vector_store %arg14[%swap3A_277], %swap3A_280 {strides = array<i32>} : memref<6048xi32, #tpu.memory_space<vmem>>, vector<16xi32>,
        %add3A_281 = arith.constant 2 : i32
        %add3A_282 = vector.broadcast %add3A_281 : i32 to vector<16xi32>
        %add3A_283 = arith.addi %mul3A_265, %add3A_282 : vector<16xi32>
        %add3A_284 = arith.constant 5040 : i32
        %add3A_285 = arith.addi %add3A_284, %mul3A_231 : i32
        %swap3A_286 = arith.index_cast %add3A_285 : i32 to index
        %swap3A_287 = tpu.vector_load %arg14[%swap3A_286] {strides = array<i32>} : memref<6048xi32, #tpu.memory_space<vmem>>, vector<16xi32>,
        %swap3A_288 = vector.shape_cast %swap3A_287 : vector<16xi32> to vector<16xi32>
        %swap3A_289 = vector.shape_cast %add3A_283 : vector<16xi32> to vector<16xi32>
        tpu.vector_store %arg14[%swap3A_286], %swap3A_289 {strides = array<i32>} : memref<6048xi32, #tpu.memory_space<vmem>>, vector<16xi32>,
      }
      %scan3A_91 = arith.constant 63 : i32
      %dma_start3A_92 = arith.constant 0 : i32
      %dma_start3A_93 = tpu.memref_slice %arg2[%dma_start3A_92] : memref<150000xf32, #tpu.memory_space<hbm>> -> memref<150000xf32, #tpu.memory_space<hbm>>
      tpu.enqueue_indirect_dma source(%dma_start3A_93 : memref<150000xf32, #tpu.memory_space<hbm>>) target(%arg15 : memref<6048xf32, #tpu.memory_space<vmem>>) offsets(%arg14 : memref<6048xi32, #tpu.memory_space<vmem>>) semaphore(%arg24 : memref<!tpu.dma_semaphore, #tpu.memory_space<semaphore_mem>>)
      %dma_wait3A_94 = arith.constant 0 : i32
      %dma_wait3A_95 = tpu.memref_slice %arg2[%dma_wait3A_94] : memref<150000xf32, #tpu.memory_space<hbm>> -> memref<150000xf32, #tpu.memory_space<hbm>>
      tpu.wait_indirect_dma semaphore(%arg24 : memref<!tpu.dma_semaphore, #tpu.memory_space<semaphore_mem>>) src(%dma_wait3A_95 : memref<150000xf32, #tpu.memory_space<hbm>>) dst(%arg15 : memref<6048xf32, #tpu.memory_space<vmem>>)
      %dma_wait3A_96 = arith.constant 0 : i32
      %dma_wait3A_97 = tpu.memref_slice %arg16[%dma_wait3A_96] : memref<1008xf32, #tpu.memory_space<vmem>> -> memref<1000xf32, #tpu.memory_space<vmem>>
      %dma_wait3A_98 = tpu.memref_slice %arg5[%add3A_27] : memref<800000xf32, #tpu.memory_space<hbm>> -> memref<1000xf32, #tpu.memory_space<hbm>>
      %dma_wait3A_99 = arith.constant 0 : i32
      %dma_wait3A_100 = tpu.memref_slice %arg16[%dma_wait3A_99] : memref<1008xf32, #tpu.memory_space<vmem>> -> memref<1000xf32, #tpu.memory_space<vmem>>
      %dma_wait3A_101 = tpu.memref_slice %arg5[%add3A_27] : memref<800000xf32, #tpu.memory_space<hbm>> -> memref<1000xf32, #tpu.memory_space<hbm>>
      tpu.wait_dma2 semaphore(%arg25 : memref<!tpu.dma_semaphore, #tpu.memory_space<semaphore_mem>>) src(%dma_wait3A_101 : memref<1000xf32, #tpu.memory_space<hbm>>) dst(%dma_wait3A_100 : memref<1000xf32, #tpu.memory_space<vmem>>)
      %dma_wait3A_102 = arith.constant 0 : i32
      %dma_wait3A_103 = tpu.memref_slice %arg17[%dma_wait3A_102] : memref<1008xf32, #tpu.memory_space<vmem>> -> memref<1000xf32, #tpu.memory_space<vmem>>
      %dma_wait3A_104 = tpu.memref_slice %arg6[%add3A_27] : memref<800000xf32, #tpu.memory_space<hbm>> -> memref<1000xf32, #tpu.memory_space<hbm>>
      %dma_wait3A_105 = arith.constant 0 : i32
      %dma_wait3A_106 = tpu.memref_slice %arg17[%dma_wait3A_105] : memref<1008xf32, #tpu.memory_space<vmem>> -> memref<1000xf32, #tpu.memory_space<vmem>>
      %dma_wait3A_107 = tpu.memref_slice %arg6[%add3A_27] : memref<800000xf32, #tpu.memory_space<hbm>> -> memref<1000xf32, #tpu.memory_space<hbm>>
      tpu.wait_dma2 semaphore(%arg25 : memref<!tpu.dma_semaphore, #tpu.memory_space<semaphore_mem>>) src(%dma_wait3A_107 : memref<1000xf32, #tpu.memory_space<hbm>>) dst(%dma_wait3A_106 : memref<1000xf32, #tpu.memory_space<vmem>>)
      %dma_wait3A_108 = arith.constant 0 : i32
      %dma_wait3A_109 = tpu.memref_slice %arg18[%dma_wait3A_108] : memref<1008xf32, #tpu.memory_space<vmem>> -> memref<1000xf32, #tpu.memory_space<vmem>>
      %dma_wait3A_110 = tpu.memref_slice %arg7[%add3A_27] : memref<800000xf32, #tpu.memory_space<hbm>> -> memref<1000xf32, #tpu.memory_space<hbm>>
      %dma_wait3A_111 = arith.constant 0 : i32
      %dma_wait3A_112 = tpu.memref_slice %arg18[%dma_wait3A_111] : memref<1008xf32, #tpu.memory_space<vmem>> -> memref<1000xf32, #tpu.memory_space<vmem>>
      %dma_wait3A_113 = tpu.memref_slice %arg7[%add3A_27] : memref<800000xf32, #tpu.memory_space<hbm>> -> memref<1000xf32, #tpu.memory_space<hbm>>
      tpu.wait_dma2 semaphore(%arg25 : memref<!tpu.dma_semaphore, #tpu.memory_space<semaphore_mem>>) src(%dma_wait3A_113 : memref<1000xf32, #tpu.memory_space<hbm>>) dst(%dma_wait3A_112 : memref<1000xf32, #tpu.memory_space<vmem>>)
      %dma_wait3A_114 = arith.constant 0 : i32
      %dma_wait3A_115 = tpu.memref_slice %arg19[%dma_wait3A_114] : memref<1008xf32, #tpu.memory_space<vmem>> -> memref<1000xf32, #tpu.memory_space<vmem>>
      %dma_wait3A_116 = tpu.memref_slice %arg8[%add3A_27] : memref<800000xf32, #tpu.memory_space<hbm>> -> memref<1000xf32, #tpu.memory_space<hbm>>
      %dma_wait3A_117 = arith.constant 0 : i32
      %dma_wait3A_118 = tpu.memref_slice %arg19[%dma_wait3A_117] : memref<1008xf32, #tpu.memory_space<vmem>> -> memref<1000xf32, #tpu.memory_space<vmem>>
      %dma_wait3A_119 = tpu.memref_slice %arg8[%add3A_27] : memref<800000xf32, #tpu.memory_space<hbm>> -> memref<1000xf32, #tpu.memory_space<hbm>>
      tpu.wait_dma2 semaphore(%arg25 : memref<!tpu.dma_semaphore, #tpu.memory_space<semaphore_mem>>) src(%dma_wait3A_119 : memref<1000xf32, #tpu.memory_space<hbm>>) dst(%dma_wait3A_118 : memref<1000xf32, #tpu.memory_space<vmem>>)
      %dma_wait3A_120 = arith.constant 0 : i32
      %dma_wait3A_121 = tpu.memref_slice %arg20[%dma_wait3A_120] : memref<1008xf32, #tpu.memory_space<vmem>> -> memref<1000xf32, #tpu.memory_space<vmem>>
      %dma_wait3A_122 = tpu.memref_slice %arg9[%add3A_27] : memref<800000xf32, #tpu.memory_space<hbm>> -> memref<1000xf32, #tpu.memory_space<hbm>>
      %dma_wait3A_123 = arith.constant 0 : i32
      %dma_wait3A_124 = tpu.memref_slice %arg20[%dma_wait3A_123] : memref<1008xf32, #tpu.memory_space<vmem>> -> memref<1000xf32, #tpu.memory_space<vmem>>
      %dma_wait3A_125 = tpu.memref_slice %arg9[%add3A_27] : memref<800000xf32, #tpu.memory_space<hbm>> -> memref<1000xf32, #tpu.memory_space<hbm>>
      tpu.wait_dma2 semaphore(%arg25 : memref<!tpu.dma_semaphore, #tpu.memory_space<semaphore_mem>>) src(%dma_wait3A_125 : memref<1000xf32, #tpu.memory_space<hbm>>) dst(%dma_wait3A_124 : memref<1000xf32, #tpu.memory_space<vmem>>)
      %dma_wait3A_126 = arith.constant 0 : i32
      %dma_wait3A_127 = tpu.memref_slice %arg21[%dma_wait3A_126] : memref<1008xf32, #tpu.memory_space<vmem>> -> memref<1000xf32, #tpu.memory_space<vmem>>
      %dma_wait3A_128 = tpu.memref_slice %arg10[%add3A_27] : memref<800000xf32, #tpu.memory_space<hbm>> -> memref<1000xf32, #tpu.memory_space<hbm>>
      %dma_wait3A_129 = arith.constant 0 : i32
      %dma_wait3A_130 = tpu.memref_slice %arg21[%dma_wait3A_129] : memref<1008xf32, #tpu.memory_space<vmem>> -> memref<1000xf32, #tpu.memory_space<vmem>>
      %dma_wait3A_131 = tpu.memref_slice %arg10[%add3A_27] : memref<800000xf32, #tpu.memory_space<hbm>> -> memref<1000xf32, #tpu.memory_space<hbm>>
      tpu.wait_dma2 semaphore(%arg25 : memref<!tpu.dma_semaphore, #tpu.memory_space<semaphore_mem>>) src(%dma_wait3A_131 : memref<1000xf32, #tpu.memory_space<hbm>>) dst(%dma_wait3A_130 : memref<1000xf32, #tpu.memory_space<vmem>>)
      %scan3A_132 = arith.constant 0 : i32
      %scan3A_133 = arith.constant 62 : i32
      %scan3A_134 = arith.addi %scan3A_132, %scan3A_133 : i32
      %scan3A_135 = arith.constant 1 : i32
      %scan3A_136 = scf.for %scan3A_229 = %scan3A_132 to %scan3A_134 step %scan3A_135 iter_args(%scan3A_230 = %scan3A_22) -> (vector<16xf32>)  : i32 {
        %mul3A_231 = arith.constant 16 : i32
        %mul3A_232 = arith.muli %scan3A_229, %mul3A_231 : i32
        %get3A_233 = arith.index_cast %mul3A_232 : i32 to index
        %get3A_234 = tpu.vector_load %arg15[%get3A_233] {strides = array<i32>} : memref<6048xf32, #tpu.memory_space<vmem>>, vector<16xf32>,
        %get3A_235 = vector.shape_cast %get3A_234 : vector<16xf32> to vector<16xf32>
        %add3A_236 = arith.constant 1008 : i32
        %add3A_237 = arith.addi %add3A_236, %mul3A_232 : i32
        %get3A_238 = arith.index_cast %add3A_237 : i32 to index
        %get3A_239 = tpu.vector_load %arg15[%get3A_238] {strides = array<i32>} : memref<6048xf32, #tpu.memory_space<vmem>>, vector<16xf32>,
        %get3A_240 = vector.shape_cast %get3A_239 : vector<16xf32> to vector<16xf32>
        %add3A_241 = arith.constant 2016 : i32
        %add3A_242 = arith.addi %add3A_241, %mul3A_232 : i32
        %get3A_243 = arith.index_cast %add3A_242 : i32 to index
        %get3A_244 = tpu.vector_load %arg15[%get3A_243] {strides = array<i32>} : memref<6048xf32, #tpu.memory_space<vmem>>, vector<16xf32>,
        %get3A_245 = vector.shape_cast %get3A_244 : vector<16xf32> to vector<16xf32>
        %add3A_246 = arith.constant 3024 : i32
        %add3A_247 = arith.addi %add3A_246, %mul3A_232 : i32
        %get3A_248 = arith.index_cast %add3A_247 : i32 to index
        %get3A_249 = tpu.vector_load %arg15[%get3A_248] {strides = array<i32>} : memref<6048xf32, #tpu.memory_space<vmem>>, vector<16xf32>,
        %get3A_250 = vector.shape_cast %get3A_249 : vector<16xf32> to vector<16xf32>
        %add3A_251 = arith.constant 4032 : i32
        %add3A_252 = arith.addi %add3A_251, %mul3A_232 : i32
        %get3A_253 = arith.index_cast %add3A_252 : i32 to index
        %get3A_254 = tpu.vector_load %arg15[%get3A_253] {strides = array<i32>} : memref<6048xf32, #tpu.memory_space<vmem>>, vector<16xf32>,
        %get3A_255 = vector.shape_cast %get3A_254 : vector<16xf32> to vector<16xf32>
        %add3A_256 = arith.constant 5040 : i32
        %add3A_257 = arith.addi %add3A_256, %mul3A_232 : i32
        %get3A_258 = arith.index_cast %add3A_257 : i32 to index
        %get3A_259 = tpu.vector_load %arg15[%get3A_258] {strides = array<i32>} : memref<6048xf32, #tpu.memory_space<vmem>>, vector<16xf32>,
        %get3A_260 = vector.shape_cast %get3A_259 : vector<16xf32> to vector<16xf32>
        %get3A_261 = arith.index_cast %mul3A_232 : i32 to index
        %get3A_262 = tpu.vector_load %arg16[%get3A_261] {strides = array<i32>} : memref<1008xf32, #tpu.memory_space<vmem>>, vector<16xf32>,
        %get3A_263 = vector.shape_cast %get3A_262 : vector<16xf32> to vector<16xf32>
        %get3A_264 = arith.index_cast %mul3A_232 : i32 to index
        %get3A_265 = tpu.vector_load %arg17[%get3A_264] {strides = array<i32>} : memref<1008xf32, #tpu.memory_space<vmem>>, vector<16xf32>,
        %get3A_266 = vector.shape_cast %get3A_265 : vector<16xf32> to vector<16xf32>
        %mul3A_267 = arith.mulf %get3A_263, %get3A_235 : vector<16xf32>
        %mul3A_268 = arith.mulf %get3A_266, %get3A_240 : vector<16xf32>
        %add3A_269 = arith.addf %mul3A_267, %mul3A_268 : vector<16xf32>
        %mul3A_270 = arith.mulf %get3A_263, %get3A_240 : vector<16xf32>
        %mul3A_271 = arith.mulf %get3A_266, %get3A_235 : vector<16xf32>
        %sub3A_272 = arith.subf %mul3A_270, %mul3A_271 : vector<16xf32>
        %mul3A_273 = arith.mulf %get3A_263, %get3A_250 : vector<16xf32>
        %mul3A_274 = arith.mulf %get3A_266, %get3A_255 : vector<16xf32>
        %add3A_275 = arith.addf %mul3A_273, %mul3A_274 : vector<16xf32>
        %mul3A_276 = arith.mulf %get3A_263, %get3A_255 : vector<16xf32>
        %mul3A_277 = arith.mulf %get3A_266, %get3A_250 : vector<16xf32>
        %sub3A_278 = arith.subf %mul3A_276, %mul3A_277 : vector<16xf32>
        %sub3A_279 = arith.subf %add3A_269, %add3A_275 : vector<16xf32>
        %sub3A_280 = arith.subf %sub3A_272, %sub3A_278 : vector<16xf32>
        %add3A_281 = arith.addf %get3A_245, %get3A_260 : vector<16xf32>
        %get3A_282 = arith.index_cast %mul3A_232 : i32 to index
        %get3A_283 = tpu.vector_load %arg18[%get3A_282] {strides = array<i32>} : memref<1008xf32, #tpu.memory_space<vmem>>, vector<16xf32>,
        %get3A_284 = vector.shape_cast %get3A_283 : vector<16xf32> to vector<16xf32>
        %get3A_285 = arith.index_cast %mul3A_232 : i32 to index
        %get3A_286 = tpu.vector_load %arg19[%get3A_285] {strides = array<i32>} : memref<1008xf32, #tpu.memory_space<vmem>>, vector<16xf32>,
        %get3A_287 = vector.shape_cast %get3A_286 : vector<16xf32> to vector<16xf32>
        %get3A_288 = arith.index_cast %mul3A_232 : i32 to index
        %get3A_289 = tpu.vector_load %arg20[%get3A_288] {strides = array<i32>} : memref<1008xf32, #tpu.memory_space<vmem>>, vector<16xf32>,
        %get3A_290 = vector.shape_cast %get3A_289 : vector<16xf32> to vector<16xf32>
        %mul3A_291 = arith.mulf %get3A_287, %get3A_290 : vector<16xf32>
        %get3A_292 = arith.index_cast %mul3A_232 : i32 to index
        %get3A_293 = tpu.vector_load %arg19[%get3A_292] {strides = array<i32>} : memref<1008xf32, #tpu.memory_space<vmem>>, vector<16xf32>,
        %get3A_294 = vector.shape_cast %get3A_293 : vector<16xf32> to vector<16xf32>
        %get3A_295 = arith.index_cast %mul3A_232 : i32 to index
        %get3A_296 = tpu.vector_load %arg21[%get3A_295] {strides = array<i32>} : memref<1008xf32, #tpu.memory_space<vmem>>, vector<16xf32>,
        %get3A_297 = vector.shape_cast %get3A_296 : vector<16xf32> to vector<16xf32>
        %mul3A_298 = arith.mulf %get3A_294, %get3A_297 : vector<16xf32>
        %div3A_299 = arith.constant 1.000000e+00 : f32
        %div3A_300 = vector.broadcast %div3A_299 : f32 to vector<16xf32>
        %div3A_301 = arith.divf %div3A_300, %get3A_284 : vector<16xf32>
        %mul3A_302 = arith.mulf %mul3A_291, %div3A_301 : vector<16xf32>
        %mul3A_303 = arith.mulf %mul3A_298, %div3A_301 : vector<16xf32>
        %mul3A_304 = arith.mulf %mul3A_303, %div3A_301 : vector<16xf32>
        %mul3A_305 = arith.mulf %mul3A_304, %div3A_301 : vector<16xf32>
        %mul3A_306 = arith.mulf %mul3A_302, %sub3A_279 : vector<16xf32>
        %mul3A_307 = arith.mulf %mul3A_306, %sub3A_279 : vector<16xf32>
        %mul3A_308 = arith.constant 1.200000e+01 : f32
        %mul3A_309 = vector.broadcast %mul3A_308 : f32 to vector<16xf32>
        %mul3A_310 = arith.mulf %mul3A_309, %mul3A_305 : vector<16xf32>
        %mul3A_311 = arith.mulf %mul3A_310, %sub3A_280 : vector<16xf32>
        %mul3A_312 = arith.mulf %mul3A_311, %sub3A_280 : vector<16xf32>
        %add3A_313 = arith.addf %mul3A_307, %mul3A_312 : vector<16xf32>
        %mul3A_314 = arith.constant 1.200000e+01 : f32
        %mul3A_315 = vector.broadcast %mul3A_314 : f32 to vector<16xf32>
        %mul3A_316 = arith.mulf %mul3A_315, %mul3A_304 : vector<16xf32>
        %mul3A_317 = arith.mulf %mul3A_316, %sub3A_280 : vector<16xf32>
        %mul3A_318 = arith.mulf %mul3A_317, %add3A_281 : vector<16xf32>
        %add3A_319 = arith.addf %add3A_313, %mul3A_318 : vector<16xf32>
        %mul3A_320 = arith.constant 4.000000e+00 : f32
        %mul3A_321 = vector.broadcast %mul3A_320 : f32 to vector<16xf32>
        %mul3A_322 = arith.mulf %mul3A_321, %mul3A_303 : vector<16xf32>
        %mul3A_323 = arith.mulf %get3A_245, %get3A_245 : vector<16xf32>
        %mul3A_324 = arith.mulf %get3A_260, %get3A_260 : vector<16xf32>
        %add3A_325 = arith.addf %mul3A_323, %mul3A_324 : vector<16xf32>
        %mul3A_326 = arith.mulf %get3A_245, %get3A_260 : vector<16xf32>
        %add3A_327 = arith.addf %add3A_325, %mul3A_326 : vector<16xf32>
        %mul3A_328 = arith.mulf %mul3A_322, %add3A_327 : vector<16xf32>
        %add3A_329 = arith.addf %add3A_319, %mul3A_328 : vector<16xf32>
        %mul3A_330 = arith.constant 5.000000e-01 : f32
        %mul3A_331 = vector.broadcast %mul3A_330 : f32 to vector<16xf32>
        %mul3A_332 = arith.mulf %mul3A_331, %add3A_329 : vector<16xf32>
        %add3A_333 = arith.addf %scan3A_230, %mul3A_332 : vector<16xf32>
        scf.yield %add3A_333 : vector<16xf32>
      }
      %scan3A_137 = arith.constant 62 : i32
      %lt3A = arith.constant 8 : i32
      %lt3A_138 = vector.broadcast %lt3A : i32 to vector<16xi32>
      %lt3A_139 = arith.cmpi slt, %iota3A, %lt3A_138 : vector<16xi32>
      %get3A = arith.constant 992 : index
      %get3A_140 = tpu.vector_load %arg15[%get3A] {strides = array<i32>} : memref<6048xf32, #tpu.memory_space<vmem>>, vector<16xf32>,
      %get3A_141 = vector.shape_cast %get3A_140 : vector<16xf32> to vector<16xf32>
      %get3A_142 = arith.constant 2000 : index
      %get3A_143 = tpu.vector_load %arg15[%get3A_142] {strides = array<i32>} : memref<6048xf32, #tpu.memory_space<vmem>>, vector<16xf32>,
      %get3A_144 = vector.shape_cast %get3A_143 : vector<16xf32> to vector<16xf32>
      %get3A_145 = arith.constant 3008 : index
      %get3A_146 = tpu.vector_load %arg15[%get3A_145] {strides = array<i32>} : memref<6048xf32, #tpu.memory_space<vmem>>, vector<16xf32>,
      %get3A_147 = vector.shape_cast %get3A_146 : vector<16xf32> to vector<16xf32>
      %get3A_148 = arith.constant 4016 : index
      %get3A_149 = tpu.vector_load %arg15[%get3A_148] {strides = array<i32>} : memref<6048xf32, #tpu.memory_space<vmem>>, vector<16xf32>,
      %get3A_150 = vector.shape_cast %get3A_149 : vector<16xf32> to vector<16xf32>
      %get3A_151 = arith.constant 5024 : index
      %get3A_152 = tpu.vector_load %arg15[%get3A_151] {strides = array<i32>} : memref<6048xf32, #tpu.memory_space<vmem>>, vector<16xf32>,
      %get3A_153 = vector.shape_cast %get3A_152 : vector<16xf32> to vector<16xf32>
      %get3A_154 = arith.constant 6032 : index
      %get3A_155 = tpu.vector_load %arg15[%get3A_154] {strides = array<i32>} : memref<6048xf32, #tpu.memory_space<vmem>>, vector<16xf32>,
      %get3A_156 = vector.shape_cast %get3A_155 : vector<16xf32> to vector<16xf32>
      %get3A_157 = arith.constant 992 : index
      %get3A_158 = tpu.vector_load %arg16[%get3A_157] {strides = array<i32>} : memref<1008xf32, #tpu.memory_space<vmem>>, vector<16xf32>,
      %get3A_159 = vector.shape_cast %get3A_158 : vector<16xf32> to vector<16xf32>
      %get3A_160 = arith.constant 992 : index
      %get3A_161 = tpu.vector_load %arg17[%get3A_160] {strides = array<i32>} : memref<1008xf32, #tpu.memory_space<vmem>>, vector<16xf32>,
      %get3A_162 = vector.shape_cast %get3A_161 : vector<16xf32> to vector<16xf32>
      %mul3A_163 = arith.mulf %get3A_159, %get3A_141 : vector<16xf32>
      %mul3A_164 = arith.mulf %get3A_162, %get3A_144 : vector<16xf32>
      %add3A_165 = arith.addf %mul3A_163, %mul3A_164 : vector<16xf32>
      %mul3A_166 = arith.mulf %get3A_159, %get3A_144 : vector<16xf32>
      %mul3A_167 = arith.mulf %get3A_162, %get3A_141 : vector<16xf32>
      %sub3A = arith.subf %mul3A_166, %mul3A_167 : vector<16xf32>
      %mul3A_168 = arith.mulf %get3A_159, %get3A_150 : vector<16xf32>
      %mul3A_169 = arith.mulf %get3A_162, %get3A_153 : vector<16xf32>
      %add3A_170 = arith.addf %mul3A_168, %mul3A_169 : vector<16xf32>
      %mul3A_171 = arith.mulf %get3A_159, %get3A_153 : vector<16xf32>
      %mul3A_172 = arith.mulf %get3A_162, %get3A_150 : vector<16xf32>
      %sub3A_173 = arith.subf %mul3A_171, %mul3A_172 : vector<16xf32>
      %sub3A_174 = arith.subf %add3A_165, %add3A_170 : vector<16xf32>
      %sub3A_175 = arith.subf %sub3A, %sub3A_173 : vector<16xf32>
      %add3A_176 = arith.addf %get3A_147, %get3A_156 : vector<16xf32>
      %get3A_177 = arith.constant 992 : index
      %get3A_178 = tpu.vector_load %arg18[%get3A_177] {strides = array<i32>} : memref<1008xf32, #tpu.memory_space<vmem>>, vector<16xf32>,
      %get3A_179 = vector.shape_cast %get3A_178 : vector<16xf32> to vector<16xf32>
      %get3A_180 = arith.constant 992 : index
      %get3A_181 = tpu.vector_load %arg19[%get3A_180] {strides = array<i32>} : memref<1008xf32, #tpu.memory_space<vmem>>, vector<16xf32>,
      %get3A_182 = vector.shape_cast %get3A_181 : vector<16xf32> to vector<16xf32>
      %get3A_183 = arith.constant 992 : index
      %get3A_184 = tpu.vector_load %arg20[%get3A_183] {strides = array<i32>} : memref<1008xf32, #tpu.memory_space<vmem>>, vector<16xf32>,
      %get3A_185 = vector.shape_cast %get3A_184 : vector<16xf32> to vector<16xf32>
      %mul3A_186 = arith.mulf %get3A_182, %get3A_185 : vector<16xf32>
      %get3A_187 = arith.constant 992 : index
      %get3A_188 = tpu.vector_load %arg19[%get3A_187] {strides = array<i32>} : memref<1008xf32, #tpu.memory_space<vmem>>, vector<16xf32>,
      %get3A_189 = vector.shape_cast %get3A_188 : vector<16xf32> to vector<16xf32>
      %get3A_190 = arith.constant 992 : index
      %get3A_191 = tpu.vector_load %arg21[%get3A_190] {strides = array<i32>} : memref<1008xf32, #tpu.memory_space<vmem>>, vector<16xf32>,
      %get3A_192 = vector.shape_cast %get3A_191 : vector<16xf32> to vector<16xf32>
      %mul3A_193 = arith.mulf %get3A_189, %get3A_192 : vector<16xf32>
      %div3A = arith.constant 1.000000e+00 : f32
      %div3A_194 = vector.broadcast %div3A : f32 to vector<16xf32>
      %div3A_195 = arith.divf %div3A_194, %get3A_179 : vector<16xf32>
      %mul3A_196 = arith.mulf %mul3A_186, %div3A_195 : vector<16xf32>
      %mul3A_197 = arith.mulf %mul3A_193, %div3A_195 : vector<16xf32>
      %mul3A_198 = arith.mulf %mul3A_197, %div3A_195 : vector<16xf32>
      %mul3A_199 = arith.mulf %mul3A_198, %div3A_195 : vector<16xf32>
      %mul3A_200 = arith.mulf %mul3A_196, %sub3A_174 : vector<16xf32>
      %mul3A_201 = arith.mulf %mul3A_200, %sub3A_174 : vector<16xf32>
      %mul3A_202 = arith.constant 1.200000e+01 : f32
      %mul3A_203 = vector.broadcast %mul3A_202 : f32 to vector<16xf32>
      %mul3A_204 = arith.mulf %mul3A_203, %mul3A_199 : vector<16xf32>
      %mul3A_205 = arith.mulf %mul3A_204, %sub3A_175 : vector<16xf32>
      %mul3A_206 = arith.mulf %mul3A_205, %sub3A_175 : vector<16xf32>
      %add3A_207 = arith.addf %mul3A_201, %mul3A_206 : vector<16xf32>
      %mul3A_208 = arith.constant 1.200000e+01 : f32
      %mul3A_209 = vector.broadcast %mul3A_208 : f32 to vector<16xf32>
      %mul3A_210 = arith.mulf %mul3A_209, %mul3A_198 : vector<16xf32>
      %mul3A_211 = arith.mulf %mul3A_210, %sub3A_175 : vector<16xf32>
      %mul3A_212 = arith.mulf %mul3A_211, %add3A_176 : vector<16xf32>
      %add3A_213 = arith.addf %add3A_207, %mul3A_212 : vector<16xf32>
      %mul3A_214 = arith.constant 4.000000e+00 : f32
      %mul3A_215 = vector.broadcast %mul3A_214 : f32 to vector<16xf32>
      %mul3A_216 = arith.mulf %mul3A_215, %mul3A_197 : vector<16xf32>
      %mul3A_217 = arith.mulf %get3A_147, %get3A_147 : vector<16xf32>
      %mul3A_218 = arith.mulf %get3A_156, %get3A_156 : vector<16xf32>
      %add3A_219 = arith.addf %mul3A_217, %mul3A_218 : vector<16xf32>
      %mul3A_220 = arith.mulf %get3A_147, %get3A_156 : vector<16xf32>
      %add3A_221 = arith.addf %add3A_219, %mul3A_220 : vector<16xf32>
      %mul3A_222 = arith.mulf %mul3A_216, %add3A_221 : vector<16xf32>
      %add3A_223 = arith.addf %add3A_213, %mul3A_222 : vector<16xf32>
      %mul3A_224 = arith.constant 5.000000e-01 : f32
      %mul3A_225 = vector.broadcast %mul3A_224 : f32 to vector<16xf32>
      %mul3A_226 = arith.mulf %mul3A_225, %add3A_223 : vector<16xf32>
      %jit3A = arith.constant 0.000000e+00 : f32
      %broadcast_in_dim3A_227 = vector.broadcast %jit3A : f32 to vector<16xf32>
      %select_n3A = arith.select %lt3A_139, %mul3A_226, %broadcast_in_dim3A_227 : vector<16xi1>, vector<16xf32>
      %add3A_228 = arith.addf %scan3A_136, %select_n3A : vector<16xf32>
      scf.yield %add3A_228 : vector<16xf32>
    }
    %scan3A_16 = arith.constant 25 : i32
    %swap3A_17 = arith.constant 0 : index
    %swap3A_18 = tpu.vector_load %arg22[%swap3A_17] {strides = array<i32>} : memref<16xf32, #tpu.memory_space<vmem>>, vector<16xf32>,
    %swap3A_19 = vector.shape_cast %swap3A_18 : vector<16xf32> to vector<16xf32>
    %swap3A_20 = vector.shape_cast %scan3A_15 : vector<16xf32> to vector<16xf32>
    tpu.vector_store %arg22[%swap3A_17], %swap3A_20 {strides = array<i32>} : memref<16xf32, #tpu.memory_space<vmem>>, vector<16xf32>,
    "tpu.region"() ({
      %run_scoped3A = tpu.sem_alloc : memref<!tpu.dma_semaphore, #tpu.memory_space<semaphore_mem>>
      %dma_start3A = arith.constant 0 : i32
      %dma_start3A_21 = tpu.memref_slice %arg11[%add3A, %dma_start3A] : memref<32x16xf32, #tpu.memory_space<hbm>> -> memref<1x16xf32, #tpu.memory_space<hbm>>
      %dma_start3A_22 = tpu.memref_squeeze %dma_start3A_21 : memref<1x16xf32, #tpu.memory_space<hbm>> -> memref<16xf32, #tpu.memory_space<hbm>>
      %dma_start3A_23 = arith.constant 0 : i32
      %dma_start3A_24 = tpu.memref_slice %arg11[%add3A, %dma_start3A_23] : memref<32x16xf32, #tpu.memory_space<hbm>> -> memref<1x16xf32, #tpu.memory_space<hbm>>
      %dma_start3A_25 = tpu.memref_squeeze %dma_start3A_24 : memref<1x16xf32, #tpu.memory_space<hbm>> -> memref<16xf32, #tpu.memory_space<hbm>>
      tpu.enqueue_dma source(%arg22 : memref<16xf32, #tpu.memory_space<vmem>>) target(%dma_start3A_25 : memref<16xf32, #tpu.memory_space<hbm>>) target_semaphore(%run_scoped3A : memref<!tpu.dma_semaphore, #tpu.memory_space<semaphore_mem>>)
      %dma_wait3A = arith.constant 0 : i32
      %dma_wait3A_26 = tpu.memref_slice %arg11[%add3A, %dma_wait3A] : memref<32x16xf32, #tpu.memory_space<hbm>> -> memref<1x16xf32, #tpu.memory_space<hbm>>
      %dma_wait3A_27 = tpu.memref_squeeze %dma_wait3A_26 : memref<1x16xf32, #tpu.memory_space<hbm>> -> memref<16xf32, #tpu.memory_space<hbm>>
      %dma_wait3A_28 = arith.constant 0 : i32
      %dma_wait3A_29 = tpu.memref_slice %arg11[%add3A, %dma_wait3A_28] : memref<32x16xf32, #tpu.memory_space<hbm>> -> memref<1x16xf32, #tpu.memory_space<hbm>>
      %dma_wait3A_30 = tpu.memref_squeeze %dma_wait3A_29 : memref<1x16xf32, #tpu.memory_space<hbm>> -> memref<16xf32, #tpu.memory_space<hbm>>
      tpu.wait_dma2 semaphore(%run_scoped3A : memref<!tpu.dma_semaphore, #tpu.memory_space<semaphore_mem>>) src(%arg22 : memref<16xf32, #tpu.memory_space<vmem>>) dst(%dma_wait3A_30 : memref<16xf32, #tpu.memory_space<hbm>>)
      tpu.yield
    }) : () -> ()
    return
  }
}

module attributes {stable_mosaic.version = 14 : i64} {
  func.func @_tc_a_body(%arg0: i32, %arg1: memref<1xf32, #tpu.memory_space<smem>>, %arg2: memref<1xf32, #tpu.memory_space<smem>>, %arg3: memref<2000x3xf32, #tpu.memory_space<vmem>>, %arg4: memref<2000x3xf32, #tpu.memory_space<vmem>>, %arg5: memref<2000x3xf32, #tpu.memory_space<vmem>>, %arg6: memref<1xf32, #tpu.memory_space<smem>>) attributes {dimension_semantics = [#tpu.dimension_semantics<arbitrary>], iteration_bounds = array<i64: 25>, scalar_prefetch = 0 : i64, scratch_operands = 0 : i64, tpu.core_type = #tpu.core_type<tc>, window_params = [{transform_indices = @transform_0, window_bounds = array<i64: 1>}, {transform_indices = @transform_1, window_bounds = array<i64: 1>}, {transform_indices = @transform_2, window_bounds = array<i64: 2000, 3>}, {transform_indices = @transform_3, window_bounds = array<i64: 2000, 3>}, {transform_indices = @transform_4, window_bounds = array<i64: 2000, 3>}, {transform_indices = @transform_5, window_bounds = array<i64: 1>}]} {
    %iota3A = tpu.iota {dimensions = array<i32: 1>} : vector<2000x3xi32>
    %eq3A = arith.constant 2 : i32
    %eq3A_0 = vector.broadcast %eq3A : i32 to vector<2000x3xi32>
    %eq3A_1 = arith.cmpi eq, %iota3A, %eq3A_0 : vector<2000x3xi32>
    %get3A = arith.constant 0 : index
    %get3A_2 = memref.load %arg2[%get3A] : memref<1xf32, #tpu.memory_space<smem>>
    %get3A_3 = arith.constant 0 : index
    %get3A_4 = memref.load %arg1[%get3A_3] : memref<1xf32, #tpu.memory_space<smem>>
    %broadcast_in_dim3A = vector.broadcast %get3A_2 : f32 to vector<2000x3xf32>
    %broadcast_in_dim3A_5 = vector.broadcast %get3A_4 : f32 to vector<2000x3xf32>
    %select_n3A = arith.select %eq3A_1, %broadcast_in_dim3A, %broadcast_in_dim3A_5 : vector<2000x3xi1>, vector<2000x3xf32>
    %get3A_6 = arith.constant 0 : index
    %get3A_7 = arith.constant 0 : index
    %get3A_8 = vector.load %arg3[%get3A_6, %get3A_7] : memref<2000x3xf32, #tpu.memory_space<vmem>>, vector<2000x3xf32>
    %mul3A = arith.mulf %get3A_8, %select_n3A : vector<2000x3xf32>
    %swap3A = arith.constant 0 : index
    %swap3A_9 = arith.constant 0 : index
    %swap3A_10 = vector.load %arg5[%swap3A, %swap3A_9] : memref<2000x3xf32, #tpu.memory_space<vmem>>, vector<2000x3xf32>
    tpu.vector_store %arg5[%swap3A, %swap3A_9], %mul3A {strides = array<i32>} : memref<2000x3xf32, #tpu.memory_space<vmem>>, vector<2000x3xf32>,
    %eq3A_11 = arith.constant 0 : i32
    %eq3A_12 = arith.cmpi eq, %arg0, %eq3A_11 : i32
    %convert_element_type3A = arith.extui %eq3A_12 : i1 to i32
    %cond3A = arith.constant 0 : i32
    %cond3A_13 = arith.cmpi ne, %convert_element_type3A, %cond3A : i32
    scf.if %cond3A_13 {
      %swap3A_26 = arith.constant 0.000000e+00 : f32
      %swap3A_27 = arith.constant 0 : index
      %swap3A_28 = memref.load %arg6[%swap3A_27] : memref<1xf32, #tpu.memory_space<smem>>
      memref.store %swap3A_26, %arg6[%swap3A_27] : memref<1xf32, #tpu.memory_space<smem>>
    } else {
    }
    %get3A_14 = arith.constant 0 : index
    %get3A_15 = memref.load %arg6[%get3A_14] : memref<1xf32, #tpu.memory_space<smem>>
    %get3A_16 = arith.constant 0 : index
    %get3A_17 = arith.constant 0 : index
    %get3A_18 = vector.load %arg4[%get3A_16, %get3A_17] : memref<2000x3xf32, #tpu.memory_space<vmem>>, vector<2000x3xf32>
    %mul3A_19 = arith.mulf %get3A_18, %mul3A : vector<2000x3xf32>
    %reduce_sum3A = vector.shape_cast %mul3A_19 : vector<2000x3xf32> to vector<1x2000x3xf32>
    %reduce_sum3A_20 = arith.constant dense<0.000000e+00> : vector<1xf32>
    %reduce_sum3A_21 = vector.multi_reduction <add>, %reduce_sum3A, %reduce_sum3A_20 [1, 2] : vector<1x2000x3xf32> to vector<1xf32>
    %reduce_sum3A_22 = vector.shape_cast %reduce_sum3A_21 : vector<1xf32> to vector<1x1x1xf32>
    %reduce_sum3A_23 = vector.extract %reduce_sum3A_22[0, 0, 0] : f32 from vector<1x1x1xf32>
    %add3A = arith.addf %get3A_15, %reduce_sum3A_23 : f32
    %swap3A_24 = arith.constant 0 : index
    %swap3A_25 = memref.load %arg6[%swap3A_24] : memref<1xf32, #tpu.memory_space<smem>>
    memref.store %add3A, %arg6[%swap3A_24] : memref<1xf32, #tpu.memory_space<smem>>
    return
  }
  func.func @transform_0(%arg0: i32) -> i32 {
    %c0_i32 = arith.constant 0 : i32
    %c0_i32_0 = arith.constant 0 : i32
    return %c0_i32 : i32
  }
  func.func @transform_1(%arg0: i32) -> i32 {
    %c0_i32 = arith.constant 0 : i32
    %c0_i32_0 = arith.constant 0 : i32
    return %c0_i32 : i32
  }
  func.func @transform_2(%arg0: i32) -> (i32, i32) {
    %c0_i32 = arith.constant 0 : i32
    %c0_i32_0 = arith.constant 0 : i32
    return %arg0, %c0_i32 : i32, i32
  }
  func.func @transform_3(%arg0: i32) -> (i32, i32) {
    %c0_i32 = arith.constant 0 : i32
    %c0_i32_0 = arith.constant 0 : i32
    return %arg0, %c0_i32 : i32, i32
  }
  func.func @transform_4(%arg0: i32) -> (i32, i32) {
    %c0_i32 = arith.constant 0 : i32
    %c0_i32_0 = arith.constant 0 : i32
    return %arg0, %c0_i32 : i32, i32
  }
  func.func @transform_5(%arg0: i32) -> i32 {
    %c0_i32 = arith.constant 0 : i32
    %c0_i32_0 = arith.constant 0 : i32
    return %c0_i32 : i32
  }
}

module attributes {stable_mosaic.version = 14 : i64} {
  func.func @_tc_b_body(%arg0: memref<1xf32, #tpu.memory_space<smem>>, %arg1: memref<1xf32, #tpu.memory_space<smem>>, %arg2: memref<1xf32, #tpu.memory_space<smem>>, %arg3: memref<32x16xf32, #tpu.memory_space<vmem>>, %arg4: memref<1xf32, #tpu.memory_space<smem>>) attributes {dimension_semantics = [], scalar_prefetch = 0 : i64, scratch_operands = 0 : i64, tpu.core_type = #tpu.core_type<tc>} {
    %get3A = arith.constant 0 : index
    %get3A_0 = arith.constant 0 : index
    %get3A_1 = vector.load %arg3[%get3A, %get3A_0] : memref<32x16xf32, #tpu.memory_space<vmem>>, vector<32x16xf32>
    %reduce_sum3A = vector.shape_cast %get3A_1 : vector<32x16xf32> to vector<1x32x16xf32>
    %reduce_sum3A_2 = arith.constant dense<0.000000e+00> : vector<1xf32>
    %reduce_sum3A_3 = vector.multi_reduction <add>, %reduce_sum3A, %reduce_sum3A_2 [1, 2] : vector<1x32x16xf32> to vector<1xf32>
    %reduce_sum3A_4 = vector.shape_cast %reduce_sum3A_3 : vector<1xf32> to vector<1x1x1xf32>
    %reduce_sum3A_5 = vector.extract %reduce_sum3A_4[0, 0, 0] : f32 from vector<1x1x1xf32>
    %get3A_6 = arith.constant 0 : index
    %get3A_7 = memref.load %arg0[%get3A_6] : memref<1xf32, #tpu.memory_space<smem>>
    %sub3A = arith.subf %reduce_sum3A_5, %get3A_7 : f32
    %get3A_8 = arith.constant 0 : index
    %get3A_9 = memref.load %arg1[%get3A_8] : memref<1xf32, #tpu.memory_space<smem>>
    %get3A_10 = arith.constant 0 : index
    %get3A_11 = memref.load %arg2[%get3A_10] : memref<1xf32, #tpu.memory_space<smem>>
    %mul3A = arith.mulf %get3A_9, %get3A_11 : f32
    %max3A = arith.constant 1.000000e-30 : f32
    %max3A_12 = arith.maximumf %mul3A, %max3A : f32
    %div3A = arith.divf %sub3A, %max3A_12 : f32
    %swap3A = arith.constant 0 : index
    %swap3A_13 = memref.load %arg4[%swap3A] : memref<1xf32, #tpu.memory_space<smem>>
    memref.store %div3A, %arg4[%swap3A] : memref<1xf32, #tpu.memory_space<smem>>
    return
  }
}

</mosaic_0001>

<sc_bundles>
// kernel: kernel.5.cloned.1.call-start
scs
__scs_entry_jumppad:
0x0: {  	(pc) =	sbr.rel $0x88, $3  }
0x1: {  	(tag) =	ssettag $0x0;
	lr =	simm.s32 $0x1  }
0x2: {  	[smem:$0x3F96] =	sst lr;
	_ =	strace $0xD0000000  }
0x3: {  	_ = 	snop  }
0x4: {  	_ = 	snop  }
0x5: {  	_ = 	snop  }
0x6: {  	_ = 	snop  }
0x7: {  	_ = 	snop  }
__scs_overlays_trampoline_lowered:
0x8: {  	[smem:$0x3FA5] =	sst s0  }
0x9: {  	[smem:$0x3FA6] =	sst s1  }
0xa: {  	[smem:$0x3FA7] =	sst s2  }
0xb: {  	[smem:$0x3FA8] =	sst s3  }
0xc: {  	[smem:$0x3FA9] =	sst s4  }
0xd: {  	[smem:$0x3FAA] =	sst s5  }
0xe: {  	[smem:$0x3FAB] =	sst s6  }
0xf: {  	[smem:$0x3FAC] =	sst s7  }
0x10: {  	[smem:$0x3FAD] =	sst s8  }
0x11: {  	[smem:$0x3FAE] =	sst s9;
	s0 =	simm.s32 @!p0 $0x0  }
0x12: {  	s1 =	sld [smem:$0x3F94];
	s0 =	simm.s32 @p0 $0x1  }
0x13: {  	[smem:$0x3FAF] =	sst s0;
	s0 =	simm.s32 @!p1 $0x0  }
0x14: {  	s2 =	sld [smem:$0x3F93];
	s0 =	simm.s32 @p1 $0x1  }
0x15: {  	[smem:$0x3FB0] =	sst s0;
	s0 =	simm.s32 @!p2 $0x0  }
0x16: {  	s3 =	sld [smem:$0x3FDB];
	s0 =	simm.s32 @p2 $0x1  }
0x17: {  	s4 =	simm.s32 $0x1BF5;
	[smem:$0x3FB2] =	sst s0  }
0x18: {  	s0 =	sld [smem:$0x3F95];
	_ =	swait.ge [sflag:s4], $0x0  }
0x19: {  	s7 =	sld [smem:$0x3F96]  }
0x1a: {  	s8 =	sadd.s32 $0xFFFFE003, lr  }
0x1b: {  	s9 =	sadd.s32 $0xFFFFFEF7, lr;
	s5 =	simm.s32 $0xFFFFFFFF;
	p2 =	slt.u32 s8, $0xFFFFF086  }
0x1c: {  	p1 =	slt.u32 s9, $0xF7A;
	s5 =	simm.s32 @!p2 $0x0  }
0x1d: {  	s5 =	simm.s32 @p1 $0x1;
	p0 =	seq.s32 s7, s2  }
0x1e: {  	s7 =	smul.u32 @!p0 $0xF7A, s2;
	p2 =	seq.s32 @!p0 s5, $0x0  }
0x1f: {  	s9 =	smul.u32 $0xF7A, s1;
	s8 =	simm.s32 @!p0 $0x1BF5;
	p2 =	por !p2, p0  }
0x20: {  	[sflag:s8] =	ssyncset.s32 @!p0 $0xFFFFF086;
	s6 =	sadd.s32 @!p0 s3, s7;
	s7 =	simm.s32 @!p0 $0x108  }
0x21: {  	s3 =	sadd.s32 s3, s9;
	s6 =	sadd.s32 @!p0 $0x88, s6;
	s7 =	simm.s32 @p2 $0x1082  }
0x22: {  	[simem:s7], [sflag:s8] =	dma.local @!p0 [hbm:s6], $0xF7A  }
0x23: {  	s9 =	sor.u32 $0xD0000000, s2;
	s6 =	simm.s32 $0x108;
	_ =	swait.ge @!p0 [sflag:s8], $0x0  }
0x24: {  	s3 =	sadd.s32 $0x88, s3;
	s6 =	simm.s32 @!p1 $0x1082;
	[sflag:s4] =	ssyncset.s32 $0xFFFFF086  }
0x25: {  	[simem:s6], [sflag:s4] =	dma.local [hbm:s3], $0xF7A  }
0x26: {  	[smem:$0x3F96] =	sst s1;
	(tag) =	ssettag s2;
	_ =	strace s9  }
0x27: {  	s1 =	sld [smem:$0x3FA6]  }
0x28: {  	s2 =	sld [smem:$0x3FA7]  }
0x29: {  	s4 =	sld [smem:$0x3FA9]  }
0x2a: {  	p0 =	seq.s32 s5, $0x0;
	s5 =	sld [smem:$0x3FAA]  }
0x2b: {  	s6 =	sld [smem:$0x3FAB]  }
0x2c: {  	s7 =	sld [smem:$0x3FAC]  }
0x2d: {  	s3 =	simm.s32 $0x108;
	s8 =	sld [smem:$0x3FAD]  }
0x2e: {  	s3 =	simm.s32 @!p0 $0x1082;
	s9 =	sld [smem:$0x3FAE]  }
0x2f: {  	lr =	sadd.s32 s0, s3;
	s0 =	sld [smem:$0x3FA5]  }
0x30: {  	s3 =	sld [smem:$0x3FA8]  }
0x31: {  	[smem:$0x3FB1] =	sst s10  }
0x32: {  	s10 =	sld [smem:$0x3FAF];
	_ =	sdelay $0x3  }
0x33: {  	p0 =	seq.s32 s10, $0x1;
	s10 =	sld [smem:$0x3FB1];
	_ =	sdelay $0x3  }
0x34: {  	[smem:$0x3FB1] =	sst s10  }
0x35: {  	s10 =	sld [smem:$0x3FB0];
	_ =	sdelay $0x3  }
0x36: {  	p1 =	seq.s32 s10, $0x1;
	s10 =	sld [smem:$0x3FB1];
	_ =	sdelay $0x3  }
0x37: {  	[smem:$0x3FB1] =	sst s10  }
0x38: {  	s10 =	sld [smem:$0x3FB2]  }
0x39: {  	_ = 	snop;
	(pc) =	sbr.ind lr, $3  }
0x3a: {  	_ = 	snop  }
0x3b: {  	_ = 	snop  }
0x3c: {  	p2 =	seq.s32 s10, $0x1;
	s10 =	sld [smem:$0x3FB1]  }
0x3d: {  	_ =	shalt  }
0x3e: {  	_ =	shalt  }
0x3f: {  	_ =	shalt  }
0x40: {  	_ =	shalt  }
0x41: {  	_ =	shalt  }
0x42: {  	_ =	shalt  }
0x43: {  	_ =	shalt  }
0x44: {  	_ =	shalt  }
0x45: {  	_ =	shalt  }
0x46: {  	_ =	shalt  }
0x47: {  	_ =	shalt  }
0x48: {  	_ =	shalt  }
0x49: {  	_ =	shalt  }
0x4a: {  	_ =	shalt  }
0x4b: {  	_ =	shalt  }
0x4c: {  	_ =	shalt  }
0x4d: {  	_ =	shalt  }
0x4e: {  	_ =	shalt  }
0x4f: {  	_ =	shalt  }
0x50: {  	_ =	shalt  }
0x51: {  	_ =	shalt  }
0x52: {  	_ =	shalt  }
0x53: {  	_ =	shalt  }
0x54: {  	_ =	shalt  }
0x55: {  	_ =	shalt  }
0x56: {  	_ =	shalt  }
0x57: {  	_ =	shalt  }
0x58: {  	_ =	shalt  }
0x59: {  	_ =	shalt  }
0x5a: {  	_ =	shalt  }
0x5b: {  	_ =	shalt  }
0x5c: {  	_ =	shalt  }
0x5d: {  	_ =	shalt  }
0x5e: {  	_ =	shalt  }
0x5f: {  	_ =	shalt  }
0x60: {  	_ =	shalt  }
0x61: {  	_ =	shalt  }
0x62: {  	_ =	shalt  }
0x63: {  	_ =	shalt  }
0x64: {  	_ =	shalt  }
0x65: {  	_ =	shalt  }
0x66: {  	_ =	shalt  }
0x67: {  	_ =	shalt  }
0x68: {  	_ =	shalt  }
0x69: {  	_ =	shalt  }
0x6a: {  	_ =	shalt  }
0x6b: {  	_ =	shalt  }
0x6c: {  	_ =	shalt  }
0x6d: {  	_ =	shalt  }
0x6e: {  	_ =	shalt  }
0x6f: {  	_ =	shalt  }
0x70: {  	_ =	shalt  }
0x71: {  	_ =	shalt  }
0x72: {  	_ =	shalt  }
0x73: {  	_ =	shalt  }
0x74: {  	_ =	shalt  }
0x75: {  	_ =	shalt  }
0x76: {  	_ =	shalt  }
0x77: {  	_ =	shalt  }
0x78: {  	_ =	shalt  }
0x79: {  	_ =	shalt  }
0x7a: {  	_ =	shalt  }
0x7b: {  	_ =	shalt  }
0x7c: {  	_ =	shalt  }
0x7d: {  	_ =	shalt  }
0x7e: {  	_ =	shalt  }
0x7f: {  	_ =	shalt  }
0x80: {  	_ =	shalt  }
0x81: {  	_ =	shalt  }
0x82: {  	_ =	shalt  }
0x83: {  	_ =	shalt  }
0x84: {  	_ =	shalt  }
0x85: {  	_ =	shalt  }
0x86: {  	_ =	shalt  }
0x87: {  	_ =	shalt  }
.Lfunc_end0:
.L_simem_size_0:
called_computation_lowered:
.L_overlay_start_0:
0x88: {  	s2 =	sld [smem:$0x3FD9]  }
0x89: {  	s3 =	sld [smem:$0x3FFE];
	_ =	sdelay $0x1  }
0x8a: {  	s1 =	srdreg.scid  }
0x8b: {  	s0 =	sand.u32 $0x1, s1  }
0x8c: {  	s14 =	sshll.u32 s0, $0xA;
	s2 =	sadd.s32 s3, s2  }
0x8d: {  	s2 =	sadd.s32 s2, s14  }
0x8e: {  	[smem:$0x3FBD] =	sst s2  }
0x8f: {  	_ = 	snop  }
0x90: {  	s2 =	sld [smem:$0x3FC7]  }
0x91: {  	s15 =	sld [smem:$0x3FD0]  }
0x92: {  	s4 =	sld [smem:$0x3FC6]  }
0x93: {  	s5 =	sld [smem:$0x3FC5]  }
0x94: {  	s7 =	simm.s32 $0xA;
	s8 =	simm.s32 $0x10;
	s6 =	sld [smem:$0x3FC4]  }
0x95: {  	[smem:s8], [sflag:s7] =	dma.local [hbm:s15], $0x1  }
0x96: {  	_ =	swait.eq [sflag:s7], $0x1  }
0x97: {  	[sflag:s7] =	ssyncset.done $0x0  }
0x98: {  	[sflag:s7] =	ssyncadd.s32 $0xFFFFFFFF  }
0x99: {  	s16 =	sld [smem:$0x11];
	(tm) =	ssettm $0x1  }
0x9a: {  	s17 =	sld [smem:$0x3FFB];
	_ =	sdelay $0x3  }
0x9b: {  	_ =	strace s17  }
0x9c: {  	s7 =	sld [smem:$0x3FFC];
	_ =	sdelay $0x3  }
0x9d: {  	_ =	strace s7  }
0x9e: {  	s7 =	sld [smem:$0x3FFD];
	_ =	sdelay $0x3  }
0x9f: {  	_ =	strace s7  }
0xa0: {  	_ =	strace $0x8FFFFFFF  }
0xa1: {  	s18 =	sld [smem:$0x3FDB];
	_ =	sdelay $0x1  }
0xa2: {  	s19 =	simm.s32 $_scs_section_size  }
0xa3: {  	s9 =	simm.s32 $_size__tile_overlayer_lowered;
	s10 =	simm.s32 $_tile_overlayer_lowered  }
0xa4: {  	s22 =	simm.s32 $0x1BFF;
	s21 =	sshll.u32 s10, $0x1;
	s7 =	sadd.s32 s19, s18  }
0xa5: {  	s11 =	simm.s32 $0x0;
	s20 =	sshll.u32 s9, $0x1;
	s9 =	sadd.s32 s21, s7  }
0xa6: {  	[timem:s11], [sflag:s22] =	dma.local [hbm:s9], s20  }
0xa7: {  	_ =	swait.ge [sflag:s22], s20  }
0xa8: {  	s8 =	ssub.s32 $0x0, s20;
	[sflag:s22] =	ssyncset.done $0x0  }
0xa9: {  	[sflag:s22] =	ssyncadd.s32 s8;
	_ =	sdelay $0x1  }
0xaa: {  	s23 =	simm.s32 $0x1B8B  }
0xab: {  	_ =	swait.ge [sflag:s23], $0x1  }
0xac: {  	[sflag:s23] =	ssyncset.done $0x0  }
0xad: {  	s25 =	simm.s32 $0x1B8E;
	s24 =	sld [smem:$0x3FFE];
	[sflag:s23] =	ssyncadd.s32 $0xFFFFFFFF  }
0xae: {  	s26 =	simm.s32 $execute0_lowered;
	[smem:$0x3FD2] =	sst s25  }
0xaf: {  	s9 =	sshll.u32 s26, $0x1;
	_ =	strace $0x80000046;
	[dreg:$0x1] =	wrdreg $0xFFFFFFFF  }
0xb0: {  	s28 =	simm.s32 $_size_execute0_lowered;
	s7 =	sadd.s32 s7, s9;
	[dreg:$0x0] =	wrdreg $0x0  }
0xb1: {  	s9 =	sshll.u32 s28, $0x1;
	[dreg:$0x2] =	wrdreg s7  }
0xb2: {  	[dreg:$0x3] =	wrdreg s9  }
0xb3: {  	[dreg:$0x4] =	wrdreg $0xC0  }
0xb4: {  	_ =	task [dreg:s11], $0x5FFFF  }
0xb5: {  	[dreg:$0x1] =	wrdreg $0xFFFFFFFF  }
0xb6: {  	[dreg:$0x0] =	wrdreg $0x60  }
0xb7: {  	[dreg:$0x2] =	wrdreg s16  }
0xb8: {  	[dreg:$0x3] =	wrdreg s24  }
0xb9: {  	[dreg:$0x4] =	wrdreg s2  }
0xba: {  	[dreg:$0x5] =	wrdreg s4  }
0xbb: {  	[dreg:$0x6] =	wrdreg s5  }
0xbc: {  	[dreg:$0x7] =	wrdreg s6  }
0xbd: {  	[dreg:$0x8] =	wrdreg $0x9  }
0xbe: {  	_ =	task.clear_ibuf [dreg:s11], $0x9FFFF;
	_ =	strace $0x90000046  }
0xbf: {  	s29 =	simm.s32 $0x9;
	_ =	strace $0x80000048  }
0xc0: {  	_ =	swait.ge [sflag:s29], $0x1  }
0xc1: {  	[sflag:s29] =	ssyncadd.s32 $0xFFFFFFFF  }
0xc2: {  	_ =	strace $0x90000048  }
0xc3: {  	_ =	sfence  }
0xc4: {  	s30 =	sld [smem:$0x0];
	_ =	sdelay $0x2  }
0xc5: {  	s31 =	sshll.u32 s1, $0xD;
	s1 =	sshrl.u32 s1, $0x2  }
0xc6: {  	s3 =	sand.u32 $0x4000, s31;
	s1 =	sadd.s32 s1, s30  }
0xc7: {  	s0 =	sor.u32 s3, s0;
	s1 =	sshll.u32 s1, $0x11  }
0xc8: {  	s0 =	sor.u32 s1, s0  }
0xc9: {  	s0 =	sadd.s32 $0x8F2B, s0  }
0xca: {  	[sflag:s0] =	ssyncadd.remote.s32 $0x1  }
0xcb: {  	_ =	sfence.sel $0xFFFF  }
0xcc: {  	[dreg:$0x0] =	wrdreg $0xFFFFFFFF;
	(pc) =	sbr.abs _section_cstart, $3  }
0xcd: {  	[dreg:$0x1] =	wrdreg $0xFFFFFFFF  }
0xce: {  	_ =	task.clear_ibuf [dreg:s11], $0x2FFFF;
	_ =	strace $0x9FFFFFFF  }
0xcf: {  	(tm) =	ssettm $0x7FFFFFFF  }
tec
execute0_lowered:
.L_overlay_start_1:
0x0: {  	(tag) =	ssettag $0x1  }
0x1: {  	s1 =	rddreg [dreg:$0x0]  }
0x2: {  	s0 =	rddreg [dreg:$0x1]  }
0x3: {  	s2 =	rddreg [dreg:$0x2]  }
0x4: {  	s3 =	rddreg [dreg:$0x3]  }
0x5: {  	s4 =	rddreg [dreg:$0x4]  }
0x6: {  	s5 =	rddreg [dreg:$0x5]  }
0x7: {  	s6 =	simm.s32 $0x0;
	s29 =	srdreg.scid;
	s7 =	stileid.u32  }
0x8: {  	s15 =	simm.s32 $0x400;
	s16 =	simm.s32 $0x3800;
	s17 =	simm.s32 $0x3C00  }
0x9: {  	s18 =	simm.s32 $0x4000;
	s19 =	simm.s32 $0x4400;
	s20 =	simm.s32 $0x4800  }
0xa: {  	s21 =	simm.s32 $0x4C00;
	s22 =	simm.s32 $0x1;
	s23 =	simm.s32 $0x17A0  }
0xb: {  	s24 =	simm.s32 $0x800;
	s25 =	simm.s32 $0x2000;
	s26 =	simm.s32 $0x2  }
0xc: {  	s28 =	simm.s32 $0x3;
	s30 =	simm.s32 $0x4;
	s31 =	simm.s32 $0x0  }
0xd: {  	[smem:$0x7FF] =	sst s6;
	s6 =	sand.u32 $0x1, s29;
	s7 =	sshll.u32 s7, $0x1  }
0xe: {  	s8 =	sadd.s32 $0x4C600, s0;
	s9 =	sadd.s32 $0x33E00, s0;
	s7 =	sor.u32 s6, s7  }
0xf: {  	s10 =	sadd.s32 $0x1B600, s0;
	s6 =	ssub.s32 $0x2, s6;
	s12 =	sshll.u32 s7, $0x4  }
0x10: {  	s11 =	sadd.s32 $0x2E00, s0;
	s13 =	sshrl.u32 s6, $0x1;
	s0 =	sadd.s32 s12, s0  }
0x11: {  	_ =	strace $0x80000047;
	s6 =	ssub.s32 s6, s13;
	s0 =	sadd.s32 $0x64E00, s0  }
0x12: {  	v0 =	vimm.s32 $0x0;
	vm0 =	vmmov $0xff;
	s12 =	smul.u32 $0x61A8, s7;
	s14 =	smax.u32 s6, $0x1;
	[dreg:$0x7] =	wrdreg s0  }
.LBB2_1:
0x13: {  	[tilespmem:$0x3E0] =	vst v0  }
0x14: {  	[tilespmem:$0x7E0] =	vst v0;
	v1 =	vimm.f32 $0.0e+00;
	s0 =	simm.s32 $0x0  }
.LBB2_2:
0x15: {  	s6 =	smul.u32 $0x3E8, s0;
	_ =	sdelay $0x1  }
0x16: {  	s6 =	sadd.s32 s12, s6  }
0x17: {  	s6 =	sshrl.u32 s6, $0x3  }
0x18: {  	s29 =	simm.s32 $0x0;
	s7 =	sadd.s32 s8, s6  }
0x19: {  	[tilespmem:s29], [sflag:$0x1] =	stream.linear.gather [hbm4b:s7+s29], $0x3E8, $0x38;
	[tilespmem:$0x5080] =	vst v63  }
0x1a: {  	s13 =	sadd.s32 s9, s6  }
0x1b: {  	[tilespmem:s15], [sflag:$0x1] =	stream.linear.gather [hbm4b:s13+s29], $0x3E8, $0x38;
	[tilespmem:$0x5080] =	vst v63  }
0x1c: {  	s13 =	sadd.s32 s10, s6  }
0x1d: {  	[tilespmem:s16], [sflag:$0x3] =	stream.linear.gather [hbm4b:s13+s29], $0x3E8, $0x38;
	[tilespmem:$0x5080] =	vst v63  }
0x1e: {  	s13 =	sadd.s32 s11, s6  }
0x1f: {  	[tilespmem:s17], [sflag:$0x3] =	stream.linear.gather [hbm4b:s13+s29], $0x3E8, $0x38;
	[tilespmem:$0x5080] =	vst v63  }
0x20: {  	s13 =	sadd.s32 s2, s6  }
0x21: {  	[tilespmem:s18], [sflag:$0x3] =	stream.linear.gather [hbm4b:s13+s29], $0x3E8, $0x38;
	[tilespmem:$0x5080] =	vst v63  }
0x22: {  	s13 =	sadd.s32 s3, s6  }
0x23: {  	[tilespmem:s19], [sflag:$0x3] =	stream.linear.gather [hbm4b:s13+s29], $0x3E8, $0x38;
	[tilespmem:$0x5080] =	vst v63  }
0x24: {  	s13 =	sadd.s32 s4, s6  }
0x25: {  	[tilespmem:s20], [sflag:$0x3] =	stream.linear.gather [hbm4b:s13+s29], $0x3E8, $0x38;
	[tilespmem:$0x5080] =	vst v63  }
0x26: {  	s6 =	sadd.s32 s5, s6  }
0x27: {  	[tilespmem:s21], [sflag:$0x3] =	stream.linear.gather [hbm4b:s6+s29], $0x3E8, $0x38;
	[tilespmem:$0x5080] =	vst v63  }
0x28: {  	_ =	swait.ge [sflag:s22], $0x3E8  }
0x29: {  	[sflag:s22] =	ssyncset.done $0x0  }
0x2a: {  	[sflag:s22] =	ssyncadd.s32 $0xFFFFFC18  }
0x2b: {  	_ =	swait.ge [sflag:s22], $0x3E8  }
0x2c: {  	[sflag:s22] =	ssyncset.done $0x0  }
0x2d: {  	s7 =	simm.s32 $0x0;
	[sflag:s22] =	ssyncadd.s32 $0xFFFFFC18  }
0x2e: {  	v2 =	vld [tilespmem:s7+$0x400]  }
0x2f: {  	v4 =	vld [tilespmem:s7+$0x0];
	_ =	sdelay $0x3  }
0x30: {  	s6 =	simm.s32 $0x10;
	v5 =	vmul.u32 $0x3, v2  }
0x31: {  	v3 =	vld [tilespmem:s6+$0x400];
	v2 =	vmul.u32 $0x3, v4  }
0x32: {  	v4 =	vld [tilespmem:s6+$0x0];
	[tilespmem:s7+$0x13D0] =	vst v5;
	v6 =	vadd.s32 $0x2, v5  }
0x33: {  	v7 =	vadd.s32 $0x1, v2;
	[tilespmem:s7+$0x1BB0] =	vst v6  }
0x34: {  	v6 =	vadd.s32 $0x2, v2;
	[tilespmem:s7+$0xBF0] =	vst v7  }
0x35: {  	s29 =	simm.s32 $0x80;
	v5 =	vadd.s32 $0x1, v5;
	[tilespmem:s7+$0xFE0] =	vst v6  }
.LBB2_3:
0x36: {  	s13 =	sshra.s32 s29, $0x2;
	p0 =	sne.s32 s29, $0xF80;
	s29 =	sadd.s32 $0x40, s29;
	v6 =	vmul.u32 $0x3, v3;
	[tilespmem:s7+$0x17C0] =	vst v5  }
.Ltmp0:
0x37: {  	v3 =	vld [tilespmem:s13+$0x400];
	[tilespmem:s7+$0x800] =	vst v2;
	v2 =	vmul.u32 $0x3, v4;
	s7 =	smov.u32 s6;
	s6 =	smov.u32 s13;
	(pc) =	sbr.rel @p0 .LBB2_3-.Ltmp0, $4  }
0x38: {  	v4 =	vld [tilespmem:s6+$0x0];
	[tilespmem:s7+$0x13D0] =	vst v6;
	v5 =	vadd.s32 $0x1, v6;
	v6 =	vadd.s32 $0x2, v6  }
0x39: {  	v7 =	vadd.s32 $0x1, v2;
	v8 =	vadd.s32 $0x2, v2;
	[tilespmem:s7+$0x1BB0] =	vst v6  }
0x3a: {  	[tilespmem:s7+$0xBF0] =	vst v7  }
0x3b: {  	[tilespmem:s7+$0xFE0] =	vst v8  }
0x3c: {  	v3 =	vmul.u32 $0x3, v3;
	[tilespmem:s7+$0x17C0] =	vst v5  }
0x3d: {  	[tilespmem:s7+$0x800] =	vst v2  }
0x3e: {  	[tilespmem:s6+$0x13D0] =	vst v3;
	v2 =	vadd.s32 $0x2, v3  }
0x3f: {  	v4 =	vmul.u32 $0x3, v4;
	v3 =	vadd.s32 $0x1, v3;
	[tilespmem:s6+$0x1BB0] =	vst v2  }
0x40: {  	[tilespmem:s6+$0x17C0] =	vst v3  }
0x41: {  	v5 =	vadd.s32 $0x1, v4;
	[tilespmem:s6+$0x800] =	vst v4  }
0x42: {  	v2 =	vadd.s32 $0x2, v4;
	[tilespmem:s6+$0xBF0] =	vst v5  }
0x43: {  	[tilespmem:s6+$0xFE0] =	vst v2  }
0x44: {  	[tilespmem:s25], [sflag:$0x2] =	stream.indirect.gather [hbm4b:s1+s23], $0x1, s24, s23, $0xb8;
	[tilespmem:$0x5080] =	vst v63  }
0x45: {  	_ =	swait.ge [sflag:s26], $0x17A0  }
0x46: {  	[sflag:s26] =	ssyncset.done $0x0  }
0x47: {  	[sflag:s26] =	ssyncadd.s32 $0xFFFFE860  }
0x48: {  	_ =	swait.ge [sflag:s28], $0x3E8  }
0x49: {  	[sflag:s28] =	ssyncset.done $0x0  }
0x4a: {  	[sflag:s28] =	ssyncadd.s32 $0xFFFFFC18  }
0x4b: {  	_ =	swait.ge [sflag:s28], $0x3E8  }
0x4c: {  	[sflag:s28] =	ssyncset.done $0x0  }
0x4d: {  	[sflag:s28] =	ssyncadd.s32 $0xFFFFFC18  }
0x4e: {  	_ =	swait.ge [sflag:s28], $0x3E8  }
0x4f: {  	[sflag:s28] =	ssyncset.done $0x0  }
0x50: {  	[sflag:s28] =	ssyncadd.s32 $0xFFFFFC18  }
0x51: {  	_ =	swait.ge [sflag:s28], $0x3E8  }
0x52: {  	[sflag:s28] =	ssyncset.done $0x0  }
0x53: {  	[sflag:s28] =	ssyncadd.s32 $0xFFFFFC18  }
0x54: {  	_ =	swait.ge [sflag:s28], $0x3E8  }
0x55: {  	[sflag:s28] =	ssyncset.done $0x0  }
0x56: {  	[sflag:s28] =	ssyncadd.s32 $0xFFFFFC18  }
0x57: {  	_ =	swait.ge [sflag:s28], $0x3E8  }
0x58: {  	[sflag:s28] =	ssyncset.done $0x0  }
0x59: {  	s13 =	simm.s32 $0x0;
	[sflag:s28] =	ssyncadd.s32 $0xFFFFFC18  }
0x5a: {  	v2 =	vld [tilespmem:s13+$0x4000];
	_ =	sdelay $0x2  }
0x5b: {  	v3 =	vld [tilespmem:s13+$0x2000]  }
0x5c: {  	v4 =	vld [tilespmem:s13+$0x23F0]  }
0x5d: {  	v5 =	vld [tilespmem:s13+$0x3800];
	(erf) = vrcp.f32 v2  }
0x5e: {  	v6 =	vld [tilespmem:s13+$0x4400]  }
0x5f: {  	v7 =	vld [tilespmem:s13+$0x4C00]  }
0x60: {  	v8 =	vld [tilespmem:s13+$0x2BD0]  }
0x61: {  	v2 =	vld [tilespmem:s13+$0x3C00];
	_ =	sdelay $0x1  }
0x62: {  	v9 =	vld [tilespmem:s13+$0x2FC0]  }
0x63: {  	v10 =	vmul.f32 v5, v3  }
0x64: {  	v12 =	vld [tilespmem:s13+$0x4800];
	v7 =	vmul.f32 v7, v6;
	v14 =	vmul.f32 v5, v8  }
0x65: {  	s7 =	simm.s32 $0x10;
	v11 =	vmul.f32 v2, v4;
	v4 =	vmul.f32 v5, v4;
	v13 =	vpop (erf)  }
0x66: {  	v17 =	vld [tilespmem:s7+$0x4000];
	v3 =	vmul.f32 v2, v3;
	v16 =	vmul.f32 v7, v13  }
0x67: {  	v15 =	vld [tilespmem:s13+$0x27E0];
	v5 =	vmul.f32 v5, v9;
	v7 =	vmul.f32 v2, v9  }
0x68: {  	v2 =	vmul.f32 v2, v8;
	v9 =	vld [tilespmem:s13+$0x33B0];
	v8 =	vmul.f32 v16, v13  }
0x69: {  	v6 =	vmul.f32 v12, v6;
	v10 =	vadd.f32 v11, v10;
	v3 =	vsub.f32 v4, v3  }
0x6a: {  	v7 =	vadd.f32 v7, v14;
	v2 =	vsub.f32 v5, v2;
	v5 =	vmul.f32 v8, v13  }
0x6b: {  	v18 =	vld [tilespmem:s7+$0x4C00];
	(erf) = vrcp.f32 v17;
	v12 =	vmul.f32 v6, v13  }
0x6c: {  	v4 =	vld [tilespmem:s7+$0x2000];
	v10 =	vsub.f32 v10, v7;
	v2 =	vsub.f32 v3, v2;
	v3 =	vmul.f32 $1.200000000e+01, v5  }
0x6d: {  	v11 =	vld [tilespmem:s7+$0x23F0];
	v13 =	vmul.f32 v15, v15;
	v14 =	vmul.f32 v9, v9  }
0x6e: {  	v6 =	vld [tilespmem:s7+$0x3800];
	v12 =	vmul.f32 v12, v10;
	v3 =	vmul.f32 v3, v2  }
0x6f: {  	v7 =	vld [tilespmem:s7+$0x3C00];
	v17 =	vmul.f32 $1.200000000e+01, v8  }
0x70: {  	v5 =	vld [tilespmem:s7+$0x4400];
	v13 =	vadd.f32 v14, v13;
	v10 =	vmul.f32 v12, v10;
	v3 =	vmul.f32 v3, v2  }
0x71: {  	v8 =	vld [tilespmem:s7+$0x2BD0];
	v14 =	vmul.f32 v9, v15;
	v15 =	vadd.f32 v9, v15;
	v2 =	vmul.f32 v17, v2  }
0x72: {  	v12 =	vld [tilespmem:s7+$0x2FC0];
	v3 =	vadd.f32 v3, v10;
	v10 =	vmul.f32 $4.000000000e+00, v16  }
0x73: {  	v9 =	vmul.f32 v6, v4;
	v13 =	vadd.f32 v13, v14;
	v2 =	vmul.f32 v2, v15  }
0x74: {  	v14 =	vmul.f32 v7, v11;
	v11 =	vmul.f32 v6, v11  }
0x75: {  	v18 =	vmul.f32 v18, v5;
	v3 =	vadd.f32 v3, v2;
	v19 =	vmul.f32 v10, v13;
	v13 =	vld [tilespmem:s7+$0x4800]  }
0x76: {  	v15 =	vmul.f32 v7, v4;
	v16 =	vmul.f32 v6, v8;
	v10 =	vpop (erf)  }
0x77: {  	s29 =	simm.s32 $0xC0;
	s6 =	simm.s32 $0x20;
	v4 =	vld [tilespmem:s7+$0x27E0];
	v17 =	vmul.f32 v7, v12;
	v3 =	vadd.f32 v3, v19;
	v2 =	vmul.f32 v18, v10  }
.LBB2_5:
0x78: {  	p0 =	sne.s32 s29, $0xF40;
	v18 =	vld [tilespmem:s6+$0x4000];
	v6 =	vmul.f32 v6, v12;
	v7 =	vmul.f32 v7, v8  }
0x79: {  	v8 =	vadd.f32 v14, v9;
	v12 =	vld [tilespmem:s7+$0x33B0];
	v9 =	vmul.f32 v2, v10;
	v3 =	vmul.f32 $5.000000000e-01, v3;
	s7 =	smov.u32 s6  }
0x7a: {  	v11 =	vsub.f32 v11, v15;
	v14 =	vadd.f32 v17, v16;
	v5 =	vmul.f32 v13, v5  }
0x7b: {  	v7 =	vsub.f32 v6, v7;
	v15 =	vld [tilespmem:s7+$0x2000];
	v13 =	vmul.f32 v9, v10;
	v1 =	vadd.f32 v3, v1  }
0x7c: {  	v8 =	vsub.f32 v8, v14;
	v3 =	vld [tilespmem:s7+$0x23F0];
	v5 =	vmul.f32 v5, v10;
	v10 =	vmul.f32 v4, v4  }
0x7d: {  	v11 =	vsub.f32 v11, v7;
	v6 =	vld [tilespmem:s7+$0x3800];
	(erf) = vrcp.f32 v18;
	v13 =	vmul.f32 $1.200000000e+01, v13  }
0x7e: {  	v7 =	vld [tilespmem:s7+$0x3C00];
	v14 =	vmul.f32 v5, v8;
	v16 =	vmul.f32 v12, v12  }
0x7f: {  	v9 =	vmul.f32 $1.200000000e+01, v9;
	v5 =	vld [tilespmem:s7+$0x4400];
	v13 =	vmul.f32 v13, v11  }
0x80: {  	v17 =	vld [tilespmem:s7+$0x4C00];
	v14 =	vmul.f32 v14, v8;
	v10 =	vadd.f32 v16, v10;
	v16 =	vmul.f32 v12, v4  }
0x81: {  	v4 =	vadd.f32 v12, v4;
	v8 =	vld [tilespmem:s7+$0x2BD0];
	v13 =	vmul.f32 v13, v11;
	v11 =	vmul.f32 v9, v11  }
0x82: {  	v12 =	vld [tilespmem:s7+$0x2FC0];
	v9 =	vmul.f32 v6, v15;
	v10 =	vadd.f32 v10, v16  }
.Ltmp1:
0x83: {  	v2 =	vmul.f32 $4.000000000e+00, v2;
	v16 =	vadd.f32 v13, v14;
	v4 =	vmul.f32 v11, v4;
	(pc) =	sbr.rel @p0 .LBB2_5-.Ltmp1, $4  }
0x84: {  	v14 =	vmul.f32 v7, v3;
	v11 =	vmul.f32 v6, v3  }
0x85: {  	v19 =	vmul.f32 v2, v10;
	v13 =	vld [tilespmem:s7+$0x4800];
	v3 =	vmul.f32 v17, v5;
	v18 =	vadd.f32 v16, v4  }
0x86: {  	v15 =	vmul.f32 v7, v15;
	v16 =	vmul.f32 v6, v8;
	v10 =	vpop (erf)  }
0x87: {  	s6 =	sshra.s32 s29, $0x2;
	s29 =	sadd.s32 $0x40, s29;
	v4 =	vld [tilespmem:s7+$0x27E0];
	v17 =	vmul.f32 v7, v12;
	v2 =	vmul.f32 v3, v10;
	v3 =	vadd.f32 v18, v19  }
0x88: {  	v18 =	vld [tilespmem:s6+$0x4000]  }
0x89: {  	v19 =	vld [tilespmem:s7+$0x33B0]  }
0x8a: {  	v38 =	vld [tilespmem:s6+$0x2000]  }
0x8b: {  	v41 =	vld [tilespmem:s6+$0x23F0]  }
0x8c: {  	v42 =	vld [tilespmem:s6+$0x3800]  }
0x8d: {  	v44 =	vld [tilespmem:s6+$0x3C00]  }
0x8e: {  	v45 =	vld [tilespmem:s6+$0x4400]  }
0x8f: {  	v6 =	vmul.f32 v6, v12;
	v7 =	vmul.f32 v7, v8;
	v47 =	vld [tilespmem:s6+$0x4C00]  }
0x90: {  	v49 =	vld [tilespmem:s6+$0x2BD0];
	v40 =	vmul.f32 v2, v10;
	v2 =	vmul.f32 $4.000000000e+00, v2  }
0x91: {  	v20 =	vld [tilespmem:s6+$0x2FC0];
	v3 =	vmul.f32 $5.000000000e-01, v3;
	v5 =	vmul.f32 v13, v5  }
0x92: {  	v39 =	vadd.f32 v14, v9;
	v23 =	vld [tilespmem:s6+$0x4800];
	v43 =	vmul.f32 v40, v10;
	v9 =	vmul.f32 $1.200000000e+01, v40  }
0x93: {  	v54 =	vld [tilespmem:$0x23E0];
	v5 =	vmul.f32 v5, v10;
	v46 =	vmul.f32 v4, v4  }
0x94: {  	v57 =	vld [tilespmem:$0x27D0];
	v6 =	vsub.f32 v6, v7;
	(erf) = vrcp.f32 v18;
	v7 =	vmul.f32 $1.200000000e+01, v43  }
0x95: {  	v11 =	vsub.f32 v11, v15;
	v61 =	vld [tilespmem:$0x3BE0];
	v48 =	vmul.f32 v19, v19;
	v50 =	vmul.f32 v19, v4  }
0x96: {  	v63 =	vld [tilespmem:$0x3FE0];
	v21 =	vmul.f32 v42, v38;
	v22 =	vmul.f32 v44, v41  }
0x97: {  	v59 =	vld [tilespmem:$0x2FB0];
	v6 =	vsub.f32 v11, v6;
	v11 =	vmul.f32 v47, v45;
	v14 =	vmul.f32 v42, v41  }
0x98: {  	v33 =	vld [tilespmem:$0x33A0];
	v12 =	vmul.f32 v44, v38;
	v51 =	vmul.f32 v42, v49  }
0x99: {  	v25 =	vld [tilespmem:$0x43E0];
	v53 =	vmul.f32 v44, v20;
	v13 =	vmul.f32 v42, v20  }
0x9a: {  	v15 =	vmul.f32 v44, v49;
	v10 =	vmul.f32 v23, v45  }
0x9b: {  	v30 =	vld [tilespmem:$0x47E0];
	v16 =	vadd.f32 v17, v16;
	v36 =	vmul.f32 v61, v54;
	v37 =	vmul.f32 v63, v57  }
0x9c: {  	v31 =	vld [tilespmem:$0x4FE0];
	v38 =	vmul.f32 v61, v57;
	v40 =	vmul.f32 v61, v59  }
0x9d: {  	v8 =	vsub.f32 v39, v16;
	v41 =	vmul.f32 v63, v33;
	v42 =	vmul.f32 v61, v33  }
0x9e: {  	v52 =	vadd.f32 v19, v4;
	v45 =	vmul.f32 v63, v54;
	v24 =	vpop (erf);
	(erf) = vrcp.f32 v25  }
0x9f: {  	v39 =	vld [tilespmem:s6+$0x27E0];
	v5 =	vmul.f32 v5, v8;
	v9 =	vmul.f32 v9, v6;
	v16 =	vadd.f32 v48, v46  }
0xa0: {  	v43 =	vld [tilespmem:s6+$0x33B0];
	v7 =	vmul.f32 v7, v6;
	v55 =	vadd.f32 v22, v21;
	v12 =	vsub.f32 v14, v12  }
0xa1: {  	v13 =	vsub.f32 v13, v15;
	v15 =	vmul.f32 v31, v30;
	v11 =	vmul.f32 v11, v24  }
0xa2: {  	v58 =	vadd.f32 v53, v51;
	v46 =	vmul.f32 v63, v59;
	v5 =	vmul.f32 v5, v8  }
0xa3: {  	v44 =	vadd.f32 v41, v40;
	v4 =	vmul.f32 v9, v52;
	v56 =	vmul.f32 v11, v24  }
0xa4: {  	v48 =	vld [tilespmem:$0x2BC0];
	v49 =	vmul.f32 v39, v39;
	v6 =	vmul.f32 v7, v6;
	v62 =	vsub.f32 v55, v58  }
0xa5: {  	v8 =	vadd.f32 v16, v50;
	v52 =	vmul.f32 v43, v43;
	v60 =	vmul.f32 v56, v24  }
0xa6: {  	v35 =	vld [tilespmem:$0x4BE0];
	v28 =	vsub.f32 v12, v13;
	v54 =	vmul.f32 v43, v39;
	v10 =	vmul.f32 v10, v24  }
0xa7: {  	v13 =	vsub.f32 v38, v45;
	v50 =	vld [tilespmem:$0x3790];
	v2 =	vmul.f32 v2, v8;
	v29 =	vmul.f32 $1.200000000e+01, v60;
	v25 =	vpop (erf)  }
0xa8: {  	v18 =	vadd.f32 v43, v39;
	v10 =	vmul.f32 v10, v62;
	v15 =	vmul.f32 v15, v25  }
0xa9: {  	v5 =	vadd.f32 v6, v5;
	v55 =	vmul.f32 v48, v48;
	v12 =	vmul.f32 v29, v28  }
0xaa: {  	v6 =	vsub.f32 v42, v46;
	v7 =	vmul.f32 v10, v62;
	v47 =	vmul.f32 v15, v25  }
0xab: {  	v10 =	vmul.f32 v35, v30;
	v34 =	vmul.f32 v12, v28;
	v12 =	vadd.f32 v37, v36  }
0xac: {  	v4 =	vadd.f32 v5, v4;
	v59 =	vmul.f32 v50, v48;
	v51 =	vmul.f32 v47, v25  }
0xad: {  	v11 =	vmul.f32 $4.000000000e+00, v11;
	v10 =	vmul.f32 v10, v25;
	v12 =	vsub.f32 v12, v44  }
0xae: {  	v6 =	vsub.f32 v13, v6;
	v32 =	vmul.f32 $1.200000000e+01, v56;
	v53 =	vmul.f32 $1.200000000e+01, v51  }
0xaf: {  	v5 =	vadd.f32 v52, v49;
	v56 =	vmul.f32 v50, v50;
	v10 =	vmul.f32 v10, v12  }
0xb0: {  	v58 =	vadd.f32 v50, v48;
	v14 =	vmul.f32 $1.200000000e+01, v47;
	v13 =	vmul.f32 v53, v6  }
0xb1: {  	v5 =	vadd.f32 v5, v54;
	v9 =	vmul.f32 v32, v28;
	v10 =	vmul.f32 v10, v12  }
0xb2: {  	v12 =	vadd.f32 v56, v55;
	v57 =	vmul.f32 v13, v6;
	v6 =	vmul.f32 v14, v6  }
0xb3: {  	v9 =	vmul.f32 v9, v18;
	v60 =	vmul.f32 $4.000000000e+00, v15;
	v7 =	vadd.f32 v34, v7  }
0xb4: {  	v12 =	vadd.f32 v12, v59;
	v8 =	vadd.f32 v57, v10;
	v6 =	vmul.f32 v6, v58  }
0xb5: {  	v2 =	vadd.f32 v4, v2;
	v5 =	vmul.f32 v11, v5;
	v61 =	vadd.f32 v7, v9  }
0xb6: {  	v62 =	vmul.f32 v60, v12;
	v6 =	vadd.f32 v8, v6  }
0xb7: {  	s0 =	sadd.s32 $0x1, s0;
	v1 =	vadd.f32 v3, v1;
	v2 =	vmul.f32 $5.000000000e-01, v2;
	v3 =	vadd.f32 v61, v5  }
0xb8: {  	p0 =	sne.s32 s0, $0x19;
	v63 =	vadd.f32 v6, v62  }
.Ltmp2:
0xb9: {  	v1 =	vadd.f32 v2, v1;
	v2 =	vmul.f32 $5.000000000e-01, v3;
	(pc) =	sbr.rel @p0 .LBB2_2-.Ltmp2, $4  }
0xba: {  	v3 =	vmul.f32 $5.000000000e-01, v63  }
0xbb: {  	v1 =	vadd.f32 v2, v1  }
0xbc: {  	v2 =	vnsel vm0, $0x0, v3  }
0xbd: {  	v1 =	vadd.f32 v2, v1  }
0xbe: {  	s31 =	sadd.s32 $0x1, s31  }
0xbf: {  	s0 =	simm.s32 $0x0;
	p0 =	sne.s32 s31, s14  }
.Ltmp3:
0xc0: {  	s6 =	rddreg [dreg:$0x7];
	s7 =	simm.s32 $0x5000;
	[tilespmem:$0x5000] =	vst v1;
	(pc) =	sbr.rel @p0 .LBB2_1-.Ltmp3, $4  }
0xc1: {  	[hbm4b:s6+s0] =	stream.linear.scatter [tilespmem:s7], [sflag:$0x4], $0x80, $0x38;
	[tilespmem:$0x5080] =	vst v63  }
0xc2: {  	_ =	swait.ge [sflag:s30], $0x80  }
0xc3: {  	[sflag:s30] =	ssyncset.done $0x0  }
0xc4: {  	[sflag:s30] =	ssyncadd.s32 $0xFFFFFF80  }
0xc5: {  	_ =	sfence.sel $0x180000  }
0xc6: {  	[bflag:$0x0] =	sbarrier.arrive $0xFFFF  }
0xc7: {  	_ =	strace $0x90000047  }
0xc8: {  	s0 =	stileid.u32;
	[bflag:$0x2] =	sbarrier.arrive $0xFFFF  }
0xc9: {  	p0 =	sne.s32 s0, $0x0;
	s0 =	rddreg [dreg:$0x6]  }
0xca: {  	s0 =	sadd.s32 @!p0 $0x100000, s0  }
0xcb: {  	[sflag:s0] =	ssyncadd.tile.s32 @!p0 $0x1;
	_ =	shalt  }
.Lfunc_end2:
_tile_overlayer_lowered:
.L_overlay_start_2:
0xcc: {  	(tag) =	ssettag $0x2  }
0xcd: {  	s0 =	rddreg [dreg:$0x0];
	s2 =	stileid.u32  }
0xce: {  	s1 =	rddreg [dreg:$0x1];
	p0 =	sne.s32 s2, $0x0  }
0xcf: {  	s3 =	rddreg [dreg:$0x2];
	[bflag:$0x3] =	sbarrier.arrive $0xFFFF;
	s2 =	simm.s32 @!p0 $0x1C04  }
0xd0: {  	[timem:s3], [sflag:s2] =	dma.local @!p0 [hbm:s0], s1  }
0xd1: {  	s0 =	simm.s32 @!p0 $0x4  }
0xd2: {  	_ =	swait.ge @!p0 [sflag:s0], s1  }
0xd3: {  	s1 =	ssub.s32 @!p0 $0x0, s1;
	[sflag:s0] =	ssyncset.done @!p0 $0x0  }
0xd4: {  	[sflag:s0] =	ssyncadd.s32 @!p0 s1  }
0xd5: {  	[bflag:$0x3] =	sbarrier.arrive $0xFFFF  }
0xd6: {  	_ =	shalt  }

</sc_bundles>
